<compile_context>
chip_gen: v7x
topology: tpu7x:2x2x1
jax: 0.10.2.dev20260603
libtpu: 0.0.44.dev20260713+nightly
codegen_flags: <defaults>
</compile_context>

<pallas_src>
import functools

import jax
import jax.numpy as jnp
from jax import lax
from jax.experimental import pallas as pl
from jax.experimental.pallas import tpu as pltpu
from jax.experimental.pallas import tpu_sc as plsc

NUM_EMB = 100000
DIM = 128

NUM_CORES = 2
NUM_SUBCORES = 16
NW = NUM_CORES * NUM_SUBCORES

CHUNK = 128


def _tc_dequant_table(weight, scaler):
    BLKT = 32768

    def body(w_ref, s_ref, o_ref):
        s = s_ref[...].reshape(BLKT, 1)
        o_ref[...] = w_ref[...].astype(jnp.float32) * s

    return pl.pallas_call(
        body,
        grid=(pl.cdiv(NUM_EMB, BLKT),),
        in_specs=[
            pl.BlockSpec((BLKT, DIM), lambda i: (i, 0)),
            pl.BlockSpec((BLKT,), lambda i: (i,)),
        ],
        out_specs=pl.BlockSpec((BLKT, DIM), lambda i: (i, 0)),
        out_shape=jax.ShapeDtypeStruct((NUM_EMB, DIM), jnp.float32),
    )(weight, scaler)


def _sc_gather(table_f32, idx3):
    _, n_chunks, _ = idx3.shape
    B = NW * n_chunks * CHUNK
    b_per_w = n_chunks * CHUNK

    mesh = plsc.VectorSubcoreMesh(
        core_axis_name="c",
        subcore_axis_name="s",
        num_cores=NUM_CORES,
        num_subcores=NUM_SUBCORES,
    )

    @functools.partial(
        pl.kernel,
        out_type=jax.ShapeDtypeStruct((B, DIM), jnp.float32),
        mesh=mesh,
        compiler_params=pltpu.CompilerParams(use_tc_tiling_on_sc=False),
        scratch_types=[
            pltpu.VMEM((n_chunks, CHUNK), jnp.int32),
            pltpu.VMEM((6, CHUNK, DIM), jnp.float32),
        ]
        + [pltpu.SemaphoreType.DMA] * 12,
    )
    def k(tab_hbm, idx_hbm, rows_out, idx_v, rows_v, *sems):
        wid = lax.axis_index("s") * NUM_CORES + lax.axis_index("c")
        base = wid * b_per_w
        gsem = sems[:6]
        osem = sems[6:]
        pltpu.sync_copy(idx_hbm.at[wid], idx_v)

        def start_gather(j, slot):
            pltpu.async_copy(
                tab_hbm.at[idx_v.at[j]], rows_v.at[slot], gsem[slot])

        def wait_gather(j, slot):
            pltpu.make_async_copy(
                tab_hbm.at[idx_v.at[j]], rows_v.at[slot], gsem[slot]).wait()

        def _out_copy(j, slot):
            off = base + j * CHUNK
            return pltpu.make_async_copy(
                rows_v.at[slot], rows_out.at[pl.ds(off, CHUNK)], osem[slot])

        def start_out(j, slot):
            _out_copy(j, slot).start()

        def wait_out(j, slot):
            _out_copy(j, slot).wait()

        for b in range(4):
            start_gather(b, b)
        for b in range(2):
            wait_gather(b, b)
            start_out(b, b)
            start_gather(b + 4, b + 4)

        main_end = 2 + 6 * ((n_chunks - 4 - 2) // 6)

        @pl.loop(2, main_end, step=6)
        def _chunk(j0):
            for b in range(6):
                j = j0 + b
                slot = (2 + b) % 6
                pslot = (slot + 4) % 6
                wait_out(j - 2, pslot)
                start_gather(j + 4, pslot)
                wait_gather(j, slot)
                start_out(j, slot)

        for c in range(main_end, n_chunks):
            s = c % 6
            if c + 4 < n_chunks:
                ps = (c + 4) % 6
                wait_out(c - 2, ps)
                start_gather(c + 4, ps)
            wait_gather(c, s)
            start_out(c, s)

        for c in range(max(0, n_chunks - 6), n_chunks):
            wait_out(c, c % 6)

    return k(table_f32, idx3)


def kernel(x, weight, weight_scaler):
    B0, S = x.shape
    B = B0 * S
    b_per_w = B // NW
    idx3 = x.astype(jnp.int32).reshape(NW, b_per_w // CHUNK, CHUNK)
    table_f32 = _tc_dequant_table(weight, weight_scaler)
    out = _sc_gather(table_f32, idx3)
    return out.reshape(B0, S, DIM)

# --- scband reference (transcript-rebuilt; emitter-appended) ---
"""Pipeline reference for scband-embedding-87024627351644 (READ-ONLY COPY).

The authoritative reference and input builder live on the scoring server;
editing this copy changes nothing except your own understanding.
"""

import jax, jax.numpy as jnp
import numpy as np

NUM_EMBEDDINGS = 100000
EMBEDDING_DIM = 128


def setup_inputs(seed: int = 0) -> dict:
    key = jax.random.key(seed)
    k1, k2, k3 = jax.random.split(key, 3)
    x = jax.random.randint(k1, (1024, 200), 0, NUM_EMBEDDINGS)
    # int8 quantized embedding table (requires_grad=False in the original module)
    weight = jax.random.randint(k2, (NUM_EMBEDDINGS, EMBEDDING_DIM), -128, 128, dtype=jnp.int8)
    # per-row dequantization scaler
    weight_scaler = jax.random.uniform(k3, (NUM_EMBEDDINGS,), minval=0.005, maxval=0.05, dtype=jnp.float32)
    return {"x": x, "weight": weight, "weight_scaler": weight_scaler}


def reference(x, weight, weight_scaler):
    # quant=True path: dequantize table with per-row scaler, then embedding gather
    w = weight.astype(jnp.float32) * weight_scaler[:, None]
    out = jnp.take(w, x, axis=0)
    return out

if __name__ == "__main__":
    import jax
    _d = setup_inputs()
    print(jax.jit(kernel)(*tuple(_d.values())))

</pallas_src>

<mosaic_0001>
#map = affine_map<(d0, d1) -> (0, 0)>
#map1 = affine_map<(d0, d1) -> (0, 0, 0)>
module attributes {stable_mosaic.version = 14 : i64} {
  func.func @k(%arg0: i32, %arg1: i32, %arg2: memref<100000x128xf32, #tpu.memory_space<hbm>>, %arg3: memref<32x50x128xi32, #tpu.memory_space<hbm>>, %arg4: memref<204800x128xf32, #tpu.memory_space<hbm>>, %arg5: memref<50x128xi32, #tpu.memory_space<vmem>>, %arg6: memref<6x128x128xf32, #tpu.memory_space<vmem>>, %arg7: memref<!tpu.dma_semaphore, #tpu.memory_space<semaphore_mem>>, %arg8: memref<!tpu.dma_semaphore, #tpu.memory_space<semaphore_mem>>, %arg9: memref<!tpu.dma_semaphore, #tpu.memory_space<semaphore_mem>>, %arg10: memref<!tpu.dma_semaphore, #tpu.memory_space<semaphore_mem>>, %arg11: memref<!tpu.dma_semaphore, #tpu.memory_space<semaphore_mem>>, %arg12: memref<!tpu.dma_semaphore, #tpu.memory_space<semaphore_mem>>, %arg13: memref<!tpu.dma_semaphore, #tpu.memory_space<semaphore_mem>>, %arg14: memref<!tpu.dma_semaphore, #tpu.memory_space<semaphore_mem>>, %arg15: memref<!tpu.dma_semaphore, #tpu.memory_space<semaphore_mem>>, %arg16: memref<!tpu.dma_semaphore, #tpu.memory_space<semaphore_mem>>, %arg17: memref<!tpu.dma_semaphore, #tpu.memory_space<semaphore_mem>>, %arg18: memref<!tpu.dma_semaphore, #tpu.memory_space<semaphore_mem>>) attributes {dimension_semantics = [#tpu.dimension_semantics<core_parallel>, #tpu.dimension_semantics<subcore_parallel>], iteration_bounds = array<i64: 2, 16>, scalar_prefetch = 0 : i64, scratch_operands = 14 : i64, tpu.core_type = #tpu.core_type<sc_vector_subcore>, window_params = [{transform_indices = #map}, {transform_indices = #map1}, {transform_indices = #map}]} {
    %mul3A = arith.constant 2 : i32
    %mul3A_0 = arith.muli %arg1, %mul3A : i32
    %add3A = arith.addi %mul3A_0, %arg0 : i32
    %mul3A_1 = arith.constant 6400 : i32
    %mul3A_2 = arith.muli %add3A, %mul3A_1 : i32
    "tpu.region"() ({
      %run_scoped3A = tpu.sem_alloc : memref<!tpu.dma_semaphore, #tpu.memory_space<semaphore_mem>>
      %dma_start3A_437 = arith.constant 0 : i32
      %dma_start3A_438 = arith.constant 0 : i32
      %dma_start3A_439 = tpu.memref_slice %arg3[%add3A, %dma_start3A_437, %dma_start3A_438] : memref<32x50x128xi32, #tpu.memory_space<hbm>> -> memref<1x50x128xi32, #tpu.memory_space<hbm>>
      %dma_start3A_440 = tpu.memref_squeeze %dma_start3A_439 : memref<1x50x128xi32, #tpu.memory_space<hbm>> -> memref<50x128xi32, #tpu.memory_space<hbm>>
      %dma_start3A_441 = arith.constant 0 : i32
      %dma_start3A_442 = arith.constant 0 : i32
      %dma_start3A_443 = tpu.memref_slice %arg3[%add3A, %dma_start3A_441, %dma_start3A_442] : memref<32x50x128xi32, #tpu.memory_space<hbm>> -> memref<1x50x128xi32, #tpu.memory_space<hbm>>
      %dma_start3A_444 = tpu.memref_squeeze %dma_start3A_443 : memref<1x50x128xi32, #tpu.memory_space<hbm>> -> memref<50x128xi32, #tpu.memory_space<hbm>>
      tpu.enqueue_dma source(%dma_start3A_444 : memref<50x128xi32, #tpu.memory_space<hbm>>) target(%arg5 : memref<50x128xi32, #tpu.memory_space<vmem>>) target_semaphore(%run_scoped3A : memref<!tpu.dma_semaphore, #tpu.memory_space<semaphore_mem>>)
      %dma_wait3A_445 = arith.constant 0 : i32
      %dma_wait3A_446 = arith.constant 0 : i32
      %dma_wait3A_447 = tpu.memref_slice %arg3[%add3A, %dma_wait3A_445, %dma_wait3A_446] : memref<32x50x128xi32, #tpu.memory_space<hbm>> -> memref<1x50x128xi32, #tpu.memory_space<hbm>>
      %dma_wait3A_448 = tpu.memref_squeeze %dma_wait3A_447 : memref<1x50x128xi32, #tpu.memory_space<hbm>> -> memref<50x128xi32, #tpu.memory_space<hbm>>
      %dma_wait3A_449 = arith.constant 0 : i32
      %dma_wait3A_450 = arith.constant 0 : i32
      %dma_wait3A_451 = tpu.memref_slice %arg3[%add3A, %dma_wait3A_449, %dma_wait3A_450] : memref<32x50x128xi32, #tpu.memory_space<hbm>> -> memref<1x50x128xi32, #tpu.memory_space<hbm>>
      %dma_wait3A_452 = tpu.memref_squeeze %dma_wait3A_451 : memref<1x50x128xi32, #tpu.memory_space<hbm>> -> memref<50x128xi32, #tpu.memory_space<hbm>>
      tpu.wait_dma2 semaphore(%run_scoped3A : memref<!tpu.dma_semaphore, #tpu.memory_space<semaphore_mem>>) src(%dma_wait3A_452 : memref<50x128xi32, #tpu.memory_space<hbm>>) dst(%arg5 : memref<50x128xi32, #tpu.memory_space<vmem>>)
      tpu.yield
    }) : () -> ()
    %dma_start3A = arith.constant 0 : i32
    %dma_start3A_3 = arith.constant 0 : i32
    %dma_start3A_4 = arith.constant 0 : i32
    %dma_start3A_5 = arith.constant 0 : i32
    %dma_start3A_6 = tpu.memref_slice %arg6[%dma_start3A_3, %dma_start3A_4, %dma_start3A_5] : memref<6x128x128xf32, #tpu.memory_space<vmem>> -> memref<1x128x128xf32, #tpu.memory_space<vmem>>
    %dma_start3A_7 = tpu.memref_squeeze %dma_start3A_6 : memref<1x128x128xf32, #tpu.memory_space<vmem>> -> memref<128x128xf32, #tpu.memory_space<vmem>>
    %dma_start3A_8 = arith.constant 0 : i32
    %dma_start3A_9 = tpu.memref_slice %arg5[%dma_start3A, %dma_start3A_8] : memref<50x128xi32, #tpu.memory_space<vmem>> -> memref<1x128xi32, #tpu.memory_space<vmem>>
    %dma_start3A_10 = tpu.memref_squeeze %dma_start3A_9 : memref<1x128xi32, #tpu.memory_space<vmem>> -> memref<128xi32, #tpu.memory_space<vmem>>
    %dma_start3A_11 = arith.constant 0 : i32
    %dma_start3A_12 = arith.constant 0 : i32
    %dma_start3A_13 = tpu.memref_slice %arg2[%dma_start3A_11, %dma_start3A_12] : memref<100000x128xf32, #tpu.memory_space<hbm>> -> memref<100000x128xf32, #tpu.memory_space<hbm>>
    tpu.enqueue_indirect_dma source(%dma_start3A_13 : memref<100000x128xf32, #tpu.memory_space<hbm>>) target(%dma_start3A_7 : memref<128x128xf32, #tpu.memory_space<vmem>>) offsets(%dma_start3A_10 : memref<128xi32, #tpu.memory_space<vmem>>) semaphore(%arg7 : memref<!tpu.dma_semaphore, #tpu.memory_space<semaphore_mem>>)
    %dma_start3A_14 = arith.constant 1 : i32
    %dma_start3A_15 = arith.constant 1 : i32
    %dma_start3A_16 = arith.constant 0 : i32
    %dma_start3A_17 = arith.constant 0 : i32
    %dma_start3A_18 = tpu.memref_slice %arg6[%dma_start3A_15, %dma_start3A_16, %dma_start3A_17] : memref<6x128x128xf32, #tpu.memory_space<vmem>> -> memref<1x128x128xf32, #tpu.memory_space<vmem>>
    %dma_start3A_19 = tpu.memref_squeeze %dma_start3A_18 : memref<1x128x128xf32, #tpu.memory_space<vmem>> -> memref<128x128xf32, #tpu.memory_space<vmem>>
    %dma_start3A_20 = arith.constant 0 : i32
    %dma_start3A_21 = tpu.memref_slice %arg5[%dma_start3A_14, %dma_start3A_20] : memref<50x128xi32, #tpu.memory_space<vmem>> -> memref<1x128xi32, #tpu.memory_space<vmem>>
    %dma_start3A_22 = tpu.memref_squeeze %dma_start3A_21 : memref<1x128xi32, #tpu.memory_space<vmem>> -> memref<128xi32, #tpu.memory_space<vmem>>
    %dma_start3A_23 = arith.constant 0 : i32
    %dma_start3A_24 = arith.constant 0 : i32
    %dma_start3A_25 = tpu.memref_slice %arg2[%dma_start3A_23, %dma_start3A_24] : memref<100000x128xf32, #tpu.memory_space<hbm>> -> memref<100000x128xf32, #tpu.memory_space<hbm>>
    tpu.enqueue_indirect_dma source(%dma_start3A_25 : memref<100000x128xf32, #tpu.memory_space<hbm>>) target(%dma_start3A_19 : memref<128x128xf32, #tpu.memory_space<vmem>>) offsets(%dma_start3A_22 : memref<128xi32, #tpu.memory_space<vmem>>) semaphore(%arg8 : memref<!tpu.dma_semaphore, #tpu.memory_space<semaphore_mem>>)
    %dma_start3A_26 = arith.constant 2 : i32
    %dma_start3A_27 = arith.constant 2 : i32
    %dma_start3A_28 = arith.constant 0 : i32
    %dma_start3A_29 = arith.constant 0 : i32
    %dma_start3A_30 = tpu.memref_slice %arg6[%dma_start3A_27, %dma_start3A_28, %dma_start3A_29] : memref<6x128x128xf32, #tpu.memory_space<vmem>> -> memref<1x128x128xf32, #tpu.memory_space<vmem>>
    %dma_start3A_31 = tpu.memref_squeeze %dma_start3A_30 : memref<1x128x128xf32, #tpu.memory_space<vmem>> -> memref<128x128xf32, #tpu.memory_space<vmem>>
    %dma_start3A_32 = arith.constant 0 : i32
    %dma_start3A_33 = tpu.memref_slice %arg5[%dma_start3A_26, %dma_start3A_32] : memref<50x128xi32, #tpu.memory_space<vmem>> -> memref<1x128xi32, #tpu.memory_space<vmem>>
    %dma_start3A_34 = tpu.memref_squeeze %dma_start3A_33 : memref<1x128xi32, #tpu.memory_space<vmem>> -> memref<128xi32, #tpu.memory_space<vmem>>
    %dma_start3A_35 = arith.constant 0 : i32
    %dma_start3A_36 = arith.constant 0 : i32
    %dma_start3A_37 = tpu.memref_slice %arg2[%dma_start3A_35, %dma_start3A_36] : memref<100000x128xf32, #tpu.memory_space<hbm>> -> memref<100000x128xf32, #tpu.memory_space<hbm>>
    tpu.enqueue_indirect_dma source(%dma_start3A_37 : memref<100000x128xf32, #tpu.memory_space<hbm>>) target(%dma_start3A_31 : memref<128x128xf32, #tpu.memory_space<vmem>>) offsets(%dma_start3A_34 : memref<128xi32, #tpu.memory_space<vmem>>) semaphore(%arg9 : memref<!tpu.dma_semaphore, #tpu.memory_space<semaphore_mem>>)
    %dma_start3A_38 = arith.constant 3 : i32
    %dma_start3A_39 = arith.constant 3 : i32
    %dma_start3A_40 = arith.constant 0 : i32
    %dma_start3A_41 = arith.constant 0 : i32
    %dma_start3A_42 = tpu.memref_slice %arg6[%dma_start3A_39, %dma_start3A_40, %dma_start3A_41] : memref<6x128x128xf32, #tpu.memory_space<vmem>> -> memref<1x128x128xf32, #tpu.memory_space<vmem>>
    %dma_start3A_43 = tpu.memref_squeeze %dma_start3A_42 : memref<1x128x128xf32, #tpu.memory_space<vmem>> -> memref<128x128xf32, #tpu.memory_space<vmem>>
    %dma_start3A_44 = arith.constant 0 : i32
    %dma_start3A_45 = tpu.memref_slice %arg5[%dma_start3A_38, %dma_start3A_44] : memref<50x128xi32, #tpu.memory_space<vmem>> -> memref<1x128xi32, #tpu.memory_space<vmem>>
    %dma_start3A_46 = tpu.memref_squeeze %dma_start3A_45 : memref<1x128xi32, #tpu.memory_space<vmem>> -> memref<128xi32, #tpu.memory_space<vmem>>
    %dma_start3A_47 = arith.constant 0 : i32
    %dma_start3A_48 = arith.constant 0 : i32
    %dma_start3A_49 = tpu.memref_slice %arg2[%dma_start3A_47, %dma_start3A_48] : memref<100000x128xf32, #tpu.memory_space<hbm>> -> memref<100000x128xf32, #tpu.memory_space<hbm>>
    tpu.enqueue_indirect_dma source(%dma_start3A_49 : memref<100000x128xf32, #tpu.memory_space<hbm>>) target(%dma_start3A_43 : memref<128x128xf32, #tpu.memory_space<vmem>>) offsets(%dma_start3A_46 : memref<128xi32, #tpu.memory_space<vmem>>) semaphore(%arg10 : memref<!tpu.dma_semaphore, #tpu.memory_space<semaphore_mem>>)
    %dma_wait3A = arith.constant 0 : i32
    %dma_wait3A_50 = arith.constant 0 : i32
    %dma_wait3A_51 = arith.constant 0 : i32
    %dma_wait3A_52 = arith.constant 0 : i32
    %dma_wait3A_53 = tpu.memref_slice %arg6[%dma_wait3A_50, %dma_wait3A_51, %dma_wait3A_52] : memref<6x128x128xf32, #tpu.memory_space<vmem>> -> memref<1x128x128xf32, #tpu.memory_space<vmem>>
    %dma_wait3A_54 = tpu.memref_squeeze %dma_wait3A_53 : memref<1x128x128xf32, #tpu.memory_space<vmem>> -> memref<128x128xf32, #tpu.memory_space<vmem>>
    %dma_wait3A_55 = arith.constant 0 : i32
    %dma_wait3A_56 = tpu.memref_slice %arg5[%dma_wait3A, %dma_wait3A_55] : memref<50x128xi32, #tpu.memory_space<vmem>> -> memref<1x128xi32, #tpu.memory_space<vmem>>
    %dma_wait3A_57 = tpu.memref_squeeze %dma_wait3A_56 : memref<1x128xi32, #tpu.memory_space<vmem>> -> memref<128xi32, #tpu.memory_space<vmem>>
    %dma_wait3A_58 = arith.constant 0 : i32
    %dma_wait3A_59 = arith.constant 0 : i32
    %dma_wait3A_60 = tpu.memref_slice %arg2[%dma_wait3A_58, %dma_wait3A_59] : memref<100000x128xf32, #tpu.memory_space<hbm>> -> memref<100000x128xf32, #tpu.memory_space<hbm>>
    tpu.wait_indirect_dma semaphore(%arg7 : memref<!tpu.dma_semaphore, #tpu.memory_space<semaphore_mem>>) src(%dma_wait3A_60 : memref<100000x128xf32, #tpu.memory_space<hbm>>) dst(%dma_wait3A_54 : memref<128x128xf32, #tpu.memory_space<vmem>>)
    %add3A_61 = arith.constant 0 : i32
    %add3A_62 = arith.addi %mul3A_2, %add3A_61 : i32
    %dma_start3A_63 = arith.constant 0 : i32
    %dma_start3A_64 = arith.constant 0 : i32
    %dma_start3A_65 = arith.constant 0 : i32
    %dma_start3A_66 = tpu.memref_slice %arg6[%dma_start3A_63, %dma_start3A_64, %dma_start3A_65] : memref<6x128x128xf32, #tpu.memory_space<vmem>> -> memref<1x128x128xf32, #tpu.memory_space<vmem>>
    %dma_start3A_67 = tpu.memref_squeeze %dma_start3A_66 : memref<1x128x128xf32, #tpu.memory_space<vmem>> -> memref<128x128xf32, #tpu.memory_space<vmem>>
    %dma_start3A_68 = arith.constant 0 : i32
    %dma_start3A_69 = tpu.memref_slice %arg4[%add3A_62, %dma_start3A_68] : memref<204800x128xf32, #tpu.memory_space<hbm>> -> memref<128x128xf32, #tpu.memory_space<hbm>>
    %dma_start3A_70 = arith.constant 0 : i32
    %dma_start3A_71 = tpu.memref_slice %arg4[%add3A_62, %dma_start3A_70] : memref<204800x128xf32, #tpu.memory_space<hbm>> -> memref<128x128xf32, #tpu.memory_space<hbm>>
    %dma_start3A_72 = arith.constant 0 : i32
    %dma_start3A_73 = arith.constant 0 : i32
    %dma_start3A_74 = tpu.memref_slice %arg6[%dma_start3A_63, %dma_start3A_72, %dma_start3A_73] : memref<6x128x128xf32, #tpu.memory_space<vmem>> -> memref<1x128x128xf32, #tpu.memory_space<vmem>>
    %dma_start3A_75 = tpu.memref_squeeze %dma_start3A_74 : memref<1x128x128xf32, #tpu.memory_space<vmem>> -> memref<128x128xf32, #tpu.memory_space<vmem>>
    tpu.enqueue_dma source(%dma_start3A_75 : memref<128x128xf32, #tpu.memory_space<vmem>>) target(%dma_start3A_71 : memref<128x128xf32, #tpu.memory_space<hbm>>) target_semaphore(%arg13 : memref<!tpu.dma_semaphore, #tpu.memory_space<semaphore_mem>>)
    %dma_start3A_76 = arith.constant 4 : i32
    %dma_start3A_77 = arith.constant 4 : i32
    %dma_start3A_78 = arith.constant 0 : i32
    %dma_start3A_79 = arith.constant 0 : i32
    %dma_start3A_80 = tpu.memref_slice %arg6[%dma_start3A_77, %dma_start3A_78, %dma_start3A_79] : memref<6x128x128xf32, #tpu.memory_space<vmem>> -> memref<1x128x128xf32, #tpu.memory_space<vmem>>
    %dma_start3A_81 = tpu.memref_squeeze %dma_start3A_80 : memref<1x128x128xf32, #tpu.memory_space<vmem>> -> memref<128x128xf32, #tpu.memory_space<vmem>>
    %dma_start3A_82 = arith.constant 0 : i32
    %dma_start3A_83 = tpu.memref_slice %arg5[%dma_start3A_76, %dma_start3A_82] : memref<50x128xi32, #tpu.memory_space<vmem>> -> memref<1x128xi32, #tpu.memory_space<vmem>>
    %dma_start3A_84 = tpu.memref_squeeze %dma_start3A_83 : memref<1x128xi32, #tpu.memory_space<vmem>> -> memref<128xi32, #tpu.memory_space<vmem>>
    %dma_start3A_85 = arith.constant 0 : i32
    %dma_start3A_86 = arith.constant 0 : i32
    %dma_start3A_87 = tpu.memref_slice %arg2[%dma_start3A_85, %dma_start3A_86] : memref<100000x128xf32, #tpu.memory_space<hbm>> -> memref<100000x128xf32, #tpu.memory_space<hbm>>
    tpu.enqueue_indirect_dma source(%dma_start3A_87 : memref<100000x128xf32, #tpu.memory_space<hbm>>) target(%dma_start3A_81 : memref<128x128xf32, #tpu.memory_space<vmem>>) offsets(%dma_start3A_84 : memref<128xi32, #tpu.memory_space<vmem>>) semaphore(%arg11 : memref<!tpu.dma_semaphore, #tpu.memory_space<semaphore_mem>>)
    %dma_wait3A_88 = arith.constant 1 : i32
    %dma_wait3A_89 = arith.constant 1 : i32
    %dma_wait3A_90 = arith.constant 0 : i32
    %dma_wait3A_91 = arith.constant 0 : i32
    %dma_wait3A_92 = tpu.memref_slice %arg6[%dma_wait3A_89, %dma_wait3A_90, %dma_wait3A_91] : memref<6x128x128xf32, #tpu.memory_space<vmem>> -> memref<1x128x128xf32, #tpu.memory_space<vmem>>
    %dma_wait3A_93 = tpu.memref_squeeze %dma_wait3A_92 : memref<1x128x128xf32, #tpu.memory_space<vmem>> -> memref<128x128xf32, #tpu.memory_space<vmem>>
    %dma_wait3A_94 = arith.constant 0 : i32
    %dma_wait3A_95 = tpu.memref_slice %arg5[%dma_wait3A_88, %dma_wait3A_94] : memref<50x128xi32, #tpu.memory_space<vmem>> -> memref<1x128xi32, #tpu.memory_space<vmem>>
    %dma_wait3A_96 = tpu.memref_squeeze %dma_wait3A_95 : memref<1x128xi32, #tpu.memory_space<vmem>> -> memref<128xi32, #tpu.memory_space<vmem>>
    %dma_wait3A_97 = arith.constant 0 : i32
    %dma_wait3A_98 = arith.constant 0 : i32
    %dma_wait3A_99 = tpu.memref_slice %arg2[%dma_wait3A_97, %dma_wait3A_98] : memref<100000x128xf32, #tpu.memory_space<hbm>> -> memref<100000x128xf32, #tpu.memory_space<hbm>>
    tpu.wait_indirect_dma semaphore(%arg8 : memref<!tpu.dma_semaphore, #tpu.memory_space<semaphore_mem>>) src(%dma_wait3A_99 : memref<100000x128xf32, #tpu.memory_space<hbm>>) dst(%dma_wait3A_93 : memref<128x128xf32, #tpu.memory_space<vmem>>)
    %add3A_100 = arith.constant 128 : i32
    %add3A_101 = arith.addi %mul3A_2, %add3A_100 : i32
    %dma_start3A_102 = arith.constant 1 : i32
    %dma_start3A_103 = arith.constant 0 : i32
    %dma_start3A_104 = arith.constant 0 : i32
    %dma_start3A_105 = tpu.memref_slice %arg6[%dma_start3A_102, %dma_start3A_103, %dma_start3A_104] : memref<6x128x128xf32, #tpu.memory_space<vmem>> -> memref<1x128x128xf32, #tpu.memory_space<vmem>>
    %dma_start3A_106 = tpu.memref_squeeze %dma_start3A_105 : memref<1x128x128xf32, #tpu.memory_space<vmem>> -> memref<128x128xf32, #tpu.memory_space<vmem>>
    %dma_start3A_107 = arith.constant 0 : i32
    %dma_start3A_108 = tpu.memref_slice %arg4[%add3A_101, %dma_start3A_107] : memref<204800x128xf32, #tpu.memory_space<hbm>> -> memref<128x128xf32, #tpu.memory_space<hbm>>
    %dma_start3A_109 = arith.constant 0 : i32
    %dma_start3A_110 = tpu.memref_slice %arg4[%add3A_101, %dma_start3A_109] : memref<204800x128xf32, #tpu.memory_space<hbm>> -> memref<128x128xf32, #tpu.memory_space<hbm>>
    %dma_start3A_111 = arith.constant 0 : i32
    %dma_start3A_112 = arith.constant 0 : i32
    %dma_start3A_113 = tpu.memref_slice %arg6[%dma_start3A_102, %dma_start3A_111, %dma_start3A_112] : memref<6x128x128xf32, #tpu.memory_space<vmem>> -> memref<1x128x128xf32, #tpu.memory_space<vmem>>
    %dma_start3A_114 = tpu.memref_squeeze %dma_start3A_113 : memref<1x128x128xf32, #tpu.memory_space<vmem>> -> memref<128x128xf32, #tpu.memory_space<vmem>>
    tpu.enqueue_dma source(%dma_start3A_114 : memref<128x128xf32, #tpu.memory_space<vmem>>) target(%dma_start3A_110 : memref<128x128xf32, #tpu.memory_space<hbm>>) target_semaphore(%arg14 : memref<!tpu.dma_semaphore, #tpu.memory_space<semaphore_mem>>)
    %dma_start3A_115 = arith.constant 5 : i32
    %dma_start3A_116 = arith.constant 5 : i32
    %dma_start3A_117 = arith.constant 0 : i32
    %dma_start3A_118 = arith.constant 0 : i32
    %dma_start3A_119 = tpu.memref_slice %arg6[%dma_start3A_116, %dma_start3A_117, %dma_start3A_118] : memref<6x128x128xf32, #tpu.memory_space<vmem>> -> memref<1x128x128xf32, #tpu.memory_space<vmem>>
    %dma_start3A_120 = tpu.memref_squeeze %dma_start3A_119 : memref<1x128x128xf32, #tpu.memory_space<vmem>> -> memref<128x128xf32, #tpu.memory_space<vmem>>
    %dma_start3A_121 = arith.constant 0 : i32
    %dma_start3A_122 = tpu.memref_slice %arg5[%dma_start3A_115, %dma_start3A_121] : memref<50x128xi32, #tpu.memory_space<vmem>> -> memref<1x128xi32, #tpu.memory_space<vmem>>
    %dma_start3A_123 = tpu.memref_squeeze %dma_start3A_122 : memref<1x128xi32, #tpu.memory_space<vmem>> -> memref<128xi32, #tpu.memory_space<vmem>>
    %dma_start3A_124 = arith.constant 0 : i32
    %dma_start3A_125 = arith.constant 0 : i32
    %dma_start3A_126 = tpu.memref_slice %arg2[%dma_start3A_124, %dma_start3A_125] : memref<100000x128xf32, #tpu.memory_space<hbm>> -> memref<100000x128xf32, #tpu.memory_space<hbm>>
    tpu.enqueue_indirect_dma source(%dma_start3A_126 : memref<100000x128xf32, #tpu.memory_space<hbm>>) target(%dma_start3A_120 : memref<128x128xf32, #tpu.memory_space<vmem>>) offsets(%dma_start3A_123 : memref<128xi32, #tpu.memory_space<vmem>>) semaphore(%arg12 : memref<!tpu.dma_semaphore, #tpu.memory_space<semaphore_mem>>)
    %scan3A = arith.constant 0 : i32
    %scan3A_127 = arith.constant 7 : i32
    %scan3A_128 = arith.addi %scan3A, %scan3A_127 : i32
    %scan3A_129 = arith.constant 1 : i32
    scf.for %scan3A_437 = %scan3A to %scan3A_128 step %scan3A_129  : i32 {
      %mul3A_438 = arith.constant 6 : i32
      %mul3A_439 = arith.muli %scan3A_437, %mul3A_438 : i32
      %add3A_440 = arith.constant 2 : i32
      %add3A_441 = arith.addi %add3A_440, %mul3A_439 : i32
      %add3A_442 = arith.constant 0 : i32
      %add3A_443 = arith.addi %add3A_441, %add3A_442 : i32
      %sub3A = arith.constant 2 : i32
      %sub3A_444 = arith.subi %add3A_443, %sub3A : i32
      %mul3A_445 = arith.constant 128 : i32
      %mul3A_446 = arith.muli %sub3A_444, %mul3A_445 : i32
      %add3A_447 = arith.addi %mul3A_2, %mul3A_446 : i32
      %dma_wait3A_448 = arith.constant 0 : i32
      %dma_wait3A_449 = arith.constant 0 : i32
      %dma_wait3A_450 = arith.constant 0 : i32
      %dma_wait3A_451 = tpu.memref_slice %arg6[%dma_wait3A_448, %dma_wait3A_449, %dma_wait3A_450] : memref<6x128x128xf32, #tpu.memory_space<vmem>> -> memref<1x128x128xf32, #tpu.memory_space<vmem>>
      %dma_wait3A_452 = tpu.memref_squeeze %dma_wait3A_451 : memref<1x128x128xf32, #tpu.memory_space<vmem>> -> memref<128x128xf32, #tpu.memory_space<vmem>>
      %dma_wait3A_453 = arith.constant 0 : i32
      %dma_wait3A_454 = tpu.memref_slice %arg4[%add3A_447, %dma_wait3A_453] : memref<204800x128xf32, #tpu.memory_space<hbm>> -> memref<128x128xf32, #tpu.memory_space<hbm>>
      %dma_wait3A_455 = arith.constant 0 : i32
      %dma_wait3A_456 = tpu.memref_slice %arg4[%add3A_447, %dma_wait3A_455] : memref<204800x128xf32, #tpu.memory_space<hbm>> -> memref<128x128xf32, #tpu.memory_space<hbm>>
      %dma_wait3A_457 = arith.constant 0 : i32
      %dma_wait3A_458 = arith.constant 0 : i32
      %dma_wait3A_459 = tpu.memref_slice %arg6[%dma_wait3A_448, %dma_wait3A_457, %dma_wait3A_458] : memref<6x128x128xf32, #tpu.memory_space<vmem>> -> memref<1x128x128xf32, #tpu.memory_space<vmem>>
      %dma_wait3A_460 = tpu.memref_squeeze %dma_wait3A_459 : memref<1x128x128xf32, #tpu.memory_space<vmem>> -> memref<128x128xf32, #tpu.memory_space<vmem>>
      tpu.wait_dma2 semaphore(%arg13 : memref<!tpu.dma_semaphore, #tpu.memory_space<semaphore_mem>>) src(%dma_wait3A_460 : memref<128x128xf32, #tpu.memory_space<vmem>>) dst(%dma_wait3A_456 : memref<128x128xf32, #tpu.memory_space<hbm>>)
      %add3A_461 = arith.constant 4 : i32
      %add3A_462 = arith.addi %add3A_443, %add3A_461 : i32
      %dma_start3A_463 = arith.constant 0 : i32
      %dma_start3A_464 = arith.constant 0 : i32
      %dma_start3A_465 = arith.constant 0 : i32
      %dma_start3A_466 = tpu.memref_slice %arg6[%dma_start3A_463, %dma_start3A_464, %dma_start3A_465] : memref<6x128x128xf32, #tpu.memory_space<vmem>> -> memref<1x128x128xf32, #tpu.memory_space<vmem>>
      %dma_start3A_467 = tpu.memref_squeeze %dma_start3A_466 : memref<1x128x128xf32, #tpu.memory_space<vmem>> -> memref<128x128xf32, #tpu.memory_space<vmem>>
      %dma_start3A_468 = arith.constant 0 : i32
      %dma_start3A_469 = tpu.memref_slice %arg5[%add3A_462, %dma_start3A_468] : memref<50x128xi32, #tpu.memory_space<vmem>> -> memref<1x128xi32, #tpu.memory_space<vmem>>
      %dma_start3A_470 = tpu.memref_squeeze %dma_start3A_469 : memref<1x128xi32, #tpu.memory_space<vmem>> -> memref<128xi32, #tpu.memory_space<vmem>>
      %dma_start3A_471 = arith.constant 0 : i32
      %dma_start3A_472 = arith.constant 0 : i32
      %dma_start3A_473 = tpu.memref_slice %arg2[%dma_start3A_471, %dma_start3A_472] : memref<100000x128xf32, #tpu.memory_space<hbm>> -> memref<100000x128xf32, #tpu.memory_space<hbm>>
      tpu.enqueue_indirect_dma source(%dma_start3A_473 : memref<100000x128xf32, #tpu.memory_space<hbm>>) target(%dma_start3A_467 : memref<128x128xf32, #tpu.memory_space<vmem>>) offsets(%dma_start3A_470 : memref<128xi32, #tpu.memory_space<vmem>>) semaphore(%arg7 : memref<!tpu.dma_semaphore, #tpu.memory_space<semaphore_mem>>)
      %dma_wait3A_474 = arith.constant 2 : i32
      %dma_wait3A_475 = arith.constant 0 : i32
      %dma_wait3A_476 = arith.constant 0 : i32
      %dma_wait3A_477 = tpu.memref_slice %arg6[%dma_wait3A_474, %dma_wait3A_475, %dma_wait3A_476] : memref<6x128x128xf32, #tpu.memory_space<vmem>> -> memref<1x128x128xf32, #tpu.memory_space<vmem>>
      %dma_wait3A_478 = tpu.memref_squeeze %dma_wait3A_477 : memref<1x128x128xf32, #tpu.memory_space<vmem>> -> memref<128x128xf32, #tpu.memory_space<vmem>>
      %dma_wait3A_479 = arith.constant 0 : i32
      %dma_wait3A_480 = tpu.memref_slice %arg5[%add3A_443, %dma_wait3A_479] : memref<50x128xi32, #tpu.memory_space<vmem>> -> memref<1x128xi32, #tpu.memory_space<vmem>>
      %dma_wait3A_481 = tpu.memref_squeeze %dma_wait3A_480 : memref<1x128xi32, #tpu.memory_space<vmem>> -> memref<128xi32, #tpu.memory_space<vmem>>
      %dma_wait3A_482 = arith.constant 0 : i32
      %dma_wait3A_483 = arith.constant 0 : i32
      %dma_wait3A_484 = tpu.memref_slice %arg2[%dma_wait3A_482, %dma_wait3A_483] : memref<100000x128xf32, #tpu.memory_space<hbm>> -> memref<100000x128xf32, #tpu.memory_space<hbm>>
      tpu.wait_indirect_dma semaphore(%arg9 : memref<!tpu.dma_semaphore, #tpu.memory_space<semaphore_mem>>) src(%dma_wait3A_484 : memref<100000x128xf32, #tpu.memory_space<hbm>>) dst(%dma_wait3A_478 : memref<128x128xf32, #tpu.memory_space<vmem>>)
      %mul3A_485 = arith.constant 128 : i32
      %mul3A_486 = arith.muli %add3A_443, %mul3A_485 : i32
      %add3A_487 = arith.addi %mul3A_2, %mul3A_486 : i32
      %dma_start3A_488 = arith.constant 2 : i32
      %dma_start3A_489 = arith.constant 0 : i32
      %dma_start3A_490 = arith.constant 0 : i32
      %dma_start3A_491 = tpu.memref_slice %arg6[%dma_start3A_488, %dma_start3A_489, %dma_start3A_490] : memref<6x128x128xf32, #tpu.memory_space<vmem>> -> memref<1x128x128xf32, #tpu.memory_space<vmem>>
      %dma_start3A_492 = tpu.memref_squeeze %dma_start3A_491 : memref<1x128x128xf32, #tpu.memory_space<vmem>> -> memref<128x128xf32, #tpu.memory_space<vmem>>
      %dma_start3A_493 = arith.constant 0 : i32
      %dma_start3A_494 = tpu.memref_slice %arg4[%add3A_487, %dma_start3A_493] : memref<204800x128xf32, #tpu.memory_space<hbm>> -> memref<128x128xf32, #tpu.memory_space<hbm>>
      %dma_start3A_495 = arith.constant 0 : i32
      %dma_start3A_496 = tpu.memref_slice %arg4[%add3A_487, %dma_start3A_495] : memref<204800x128xf32, #tpu.memory_space<hbm>> -> memref<128x128xf32, #tpu.memory_space<hbm>>
      %dma_start3A_497 = arith.constant 0 : i32
      %dma_start3A_498 = arith.constant 0 : i32
      %dma_start3A_499 = tpu.memref_slice %arg6[%dma_start3A_488, %dma_start3A_497, %dma_start3A_498] : memref<6x128x128xf32, #tpu.memory_space<vmem>> -> memref<1x128x128xf32, #tpu.memory_space<vmem>>
      %dma_start3A_500 = tpu.memref_squeeze %dma_start3A_499 : memref<1x128x128xf32, #tpu.memory_space<vmem>> -> memref<128x128xf32, #tpu.memory_space<vmem>>
      tpu.enqueue_dma source(%dma_start3A_500 : memref<128x128xf32, #tpu.memory_space<vmem>>) target(%dma_start3A_496 : memref<128x128xf32, #tpu.memory_space<hbm>>) target_semaphore(%arg15 : memref<!tpu.dma_semaphore, #tpu.memory_space<semaphore_mem>>)
      %add3A_501 = arith.constant 1 : i32
      %add3A_502 = arith.addi %add3A_441, %add3A_501 : i32
      %sub3A_503 = arith.constant 2 : i32
      %sub3A_504 = arith.subi %add3A_502, %sub3A_503 : i32
      %mul3A_505 = arith.constant 128 : i32
      %mul3A_506 = arith.muli %sub3A_504, %mul3A_505 : i32
      %add3A_507 = arith.addi %mul3A_2, %mul3A_506 : i32
      %dma_wait3A_508 = arith.constant 1 : i32
      %dma_wait3A_509 = arith.constant 0 : i32
      %dma_wait3A_510 = arith.constant 0 : i32
      %dma_wait3A_511 = tpu.memref_slice %arg6[%dma_wait3A_508, %dma_wait3A_509, %dma_wait3A_510] : memref<6x128x128xf32, #tpu.memory_space<vmem>> -> memref<1x128x128xf32, #tpu.memory_space<vmem>>
      %dma_wait3A_512 = tpu.memref_squeeze %dma_wait3A_511 : memref<1x128x128xf32, #tpu.memory_space<vmem>> -> memref<128x128xf32, #tpu.memory_space<vmem>>
      %dma_wait3A_513 = arith.constant 0 : i32
      %dma_wait3A_514 = tpu.memref_slice %arg4[%add3A_507, %dma_wait3A_513] : memref<204800x128xf32, #tpu.memory_space<hbm>> -> memref<128x128xf32, #tpu.memory_space<hbm>>
      %dma_wait3A_515 = arith.constant 0 : i32
      %dma_wait3A_516 = tpu.memref_slice %arg4[%add3A_507, %dma_wait3A_515] : memref<204800x128xf32, #tpu.memory_space<hbm>> -> memref<128x128xf32, #tpu.memory_space<hbm>>
      %dma_wait3A_517 = arith.constant 0 : i32
      %dma_wait3A_518 = arith.constant 0 : i32
      %dma_wait3A_519 = tpu.memref_slice %arg6[%dma_wait3A_508, %dma_wait3A_517, %dma_wait3A_518] : memref<6x128x128xf32, #tpu.memory_space<vmem>> -> memref<1x128x128xf32, #tpu.memory_space<vmem>>
      %dma_wait3A_520 = tpu.memref_squeeze %dma_wait3A_519 : memref<1x128x128xf32, #tpu.memory_space<vmem>> -> memref<128x128xf32, #tpu.memory_space<vmem>>
      tpu.wait_dma2 semaphore(%arg14 : memref<!tpu.dma_semaphore, #tpu.memory_space<semaphore_mem>>) src(%dma_wait3A_520 : memref<128x128xf32, #tpu.memory_space<vmem>>) dst(%dma_wait3A_516 : memref<128x128xf32, #tpu.memory_space<hbm>>)
      %add3A_521 = arith.constant 4 : i32
      %add3A_522 = arith.addi %add3A_502, %add3A_521 : i32
      %dma_start3A_523 = arith.constant 1 : i32
      %dma_start3A_524 = arith.constant 0 : i32
      %dma_start3A_525 = arith.constant 0 : i32
      %dma_start3A_526 = tpu.memref_slice %arg6[%dma_start3A_523, %dma_start3A_524, %dma_start3A_525] : memref<6x128x128xf32, #tpu.memory_space<vmem>> -> memref<1x128x128xf32, #tpu.memory_space<vmem>>
      %dma_start3A_527 = tpu.memref_squeeze %dma_start3A_526 : memref<1x128x128xf32, #tpu.memory_space<vmem>> -> memref<128x128xf32, #tpu.memory_space<vmem>>
      %dma_start3A_528 = arith.constant 0 : i32
      %dma_start3A_529 = tpu.memref_slice %arg5[%add3A_522, %dma_start3A_528] : memref<50x128xi32, #tpu.memory_space<vmem>> -> memref<1x128xi32, #tpu.memory_space<vmem>>
      %dma_start3A_530 = tpu.memref_squeeze %dma_start3A_529 : memref<1x128xi32, #tpu.memory_space<vmem>> -> memref<128xi32, #tpu.memory_space<vmem>>
      %dma_start3A_531 = arith.constant 0 : i32
      %dma_start3A_532 = arith.constant 0 : i32
      %dma_start3A_533 = tpu.memref_slice %arg2[%dma_start3A_531, %dma_start3A_532] : memref<100000x128xf32, #tpu.memory_space<hbm>> -> memref<100000x128xf32, #tpu.memory_space<hbm>>
      tpu.enqueue_indirect_dma source(%dma_start3A_533 : memref<100000x128xf32, #tpu.memory_space<hbm>>) target(%dma_start3A_527 : memref<128x128xf32, #tpu.memory_space<vmem>>) offsets(%dma_start3A_530 : memref<128xi32, #tpu.memory_space<vmem>>) semaphore(%arg8 : memref<!tpu.dma_semaphore, #tpu.memory_space<semaphore_mem>>)
      %dma_wait3A_534 = arith.constant 3 : i32
      %dma_wait3A_535 = arith.constant 0 : i32
      %dma_wait3A_536 = arith.constant 0 : i32
      %dma_wait3A_537 = tpu.memref_slice %arg6[%dma_wait3A_534, %dma_wait3A_535, %dma_wait3A_536] : memref<6x128x128xf32, #tpu.memory_space<vmem>> -> memref<1x128x128xf32, #tpu.memory_space<vmem>>
      %dma_wait3A_538 = tpu.memref_squeeze %dma_wait3A_537 : memref<1x128x128xf32, #tpu.memory_space<vmem>> -> memref<128x128xf32, #tpu.memory_space<vmem>>
      %dma_wait3A_539 = arith.constant 0 : i32
      %dma_wait3A_540 = tpu.memref_slice %arg5[%add3A_502, %dma_wait3A_539] : memref<50x128xi32, #tpu.memory_space<vmem>> -> memref<1x128xi32, #tpu.memory_space<vmem>>
      %dma_wait3A_541 = tpu.memref_squeeze %dma_wait3A_540 : memref<1x128xi32, #tpu.memory_space<vmem>> -> memref<128xi32, #tpu.memory_space<vmem>>
      %dma_wait3A_542 = arith.constant 0 : i32
      %dma_wait3A_543 = arith.constant 0 : i32
      %dma_wait3A_544 = tpu.memref_slice %arg2[%dma_wait3A_542, %dma_wait3A_543] : memref<100000x128xf32, #tpu.memory_space<hbm>> -> memref<100000x128xf32, #tpu.memory_space<hbm>>
      tpu.wait_indirect_dma semaphore(%arg10 : memref<!tpu.dma_semaphore, #tpu.memory_space<semaphore_mem>>) src(%dma_wait3A_544 : memref<100000x128xf32, #tpu.memory_space<hbm>>) dst(%dma_wait3A_538 : memref<128x128xf32, #tpu.memory_space<vmem>>)
      %mul3A_545 = arith.constant 128 : i32
      %mul3A_546 = arith.muli %add3A_502, %mul3A_545 : i32
      %add3A_547 = arith.addi %mul3A_2, %mul3A_546 : i32
      %dma_start3A_548 = arith.constant 3 : i32
      %dma_start3A_549 = arith.constant 0 : i32
      %dma_start3A_550 = arith.constant 0 : i32
      %dma_start3A_551 = tpu.memref_slice %arg6[%dma_start3A_548, %dma_start3A_549, %dma_start3A_550] : memref<6x128x128xf32, #tpu.memory_space<vmem>> -> memref<1x128x128xf32, #tpu.memory_space<vmem>>
      %dma_start3A_552 = tpu.memref_squeeze %dma_start3A_551 : memref<1x128x128xf32, #tpu.memory_space<vmem>> -> memref<128x128xf32, #tpu.memory_space<vmem>>
      %dma_start3A_553 = arith.constant 0 : i32
      %dma_start3A_554 = tpu.memref_slice %arg4[%add3A_547, %dma_start3A_553] : memref<204800x128xf32, #tpu.memory_space<hbm>> -> memref<128x128xf32, #tpu.memory_space<hbm>>
      %dma_start3A_555 = arith.constant 0 : i32
      %dma_start3A_556 = tpu.memref_slice %arg4[%add3A_547, %dma_start3A_555] : memref<204800x128xf32, #tpu.memory_space<hbm>> -> memref<128x128xf32, #tpu.memory_space<hbm>>
      %dma_start3A_557 = arith.constant 0 : i32
      %dma_start3A_558 = arith.constant 0 : i32
      %dma_start3A_559 = tpu.memref_slice %arg6[%dma_start3A_548, %dma_start3A_557, %dma_start3A_558] : memref<6x128x128xf32, #tpu.memory_space<vmem>> -> memref<1x128x128xf32, #tpu.memory_space<vmem>>
      %dma_start3A_560 = tpu.memref_squeeze %dma_start3A_559 : memref<1x128x128xf32, #tpu.memory_space<vmem>> -> memref<128x128xf32, #tpu.memory_space<vmem>>
      tpu.enqueue_dma source(%dma_start3A_560 : memref<128x128xf32, #tpu.memory_space<vmem>>) target(%dma_start3A_556 : memref<128x128xf32, #tpu.memory_space<hbm>>) target_semaphore(%arg16 : memref<!tpu.dma_semaphore, #tpu.memory_space<semaphore_mem>>)
      %add3A_561 = arith.constant 2 : i32
      %add3A_562 = arith.addi %add3A_441, %add3A_561 : i32
      %sub3A_563 = arith.constant 2 : i32
      %sub3A_564 = arith.subi %add3A_562, %sub3A_563 : i32
      %mul3A_565 = arith.constant 128 : i32
      %mul3A_566 = arith.muli %sub3A_564, %mul3A_565 : i32
      %add3A_567 = arith.addi %mul3A_2, %mul3A_566 : i32
      %dma_wait3A_568 = arith.constant 2 : i32
      %dma_wait3A_569 = arith.constant 0 : i32
      %dma_wait3A_570 = arith.constant 0 : i32
      %dma_wait3A_571 = tpu.memref_slice %arg6[%dma_wait3A_568, %dma_wait3A_569, %dma_wait3A_570] : memref<6x128x128xf32, #tpu.memory_space<vmem>> -> memref<1x128x128xf32, #tpu.memory_space<vmem>>
      %dma_wait3A_572 = tpu.memref_squeeze %dma_wait3A_571 : memref<1x128x128xf32, #tpu.memory_space<vmem>> -> memref<128x128xf32, #tpu.memory_space<vmem>>
      %dma_wait3A_573 = arith.constant 0 : i32
      %dma_wait3A_574 = tpu.memref_slice %arg4[%add3A_567, %dma_wait3A_573] : memref<204800x128xf32, #tpu.memory_space<hbm>> -> memref<128x128xf32, #tpu.memory_space<hbm>>
      %dma_wait3A_575 = arith.constant 0 : i32
      %dma_wait3A_576 = tpu.memref_slice %arg4[%add3A_567, %dma_wait3A_575] : memref<204800x128xf32, #tpu.memory_space<hbm>> -> memref<128x128xf32, #tpu.memory_space<hbm>>
      %dma_wait3A_577 = arith.constant 0 : i32
      %dma_wait3A_578 = arith.constant 0 : i32
      %dma_wait3A_579 = tpu.memref_slice %arg6[%dma_wait3A_568, %dma_wait3A_577, %dma_wait3A_578] : memref<6x128x128xf32, #tpu.memory_space<vmem>> -> memref<1x128x128xf32, #tpu.memory_space<vmem>>
      %dma_wait3A_580 = tpu.memref_squeeze %dma_wait3A_579 : memref<1x128x128xf32, #tpu.memory_space<vmem>> -> memref<128x128xf32, #tpu.memory_space<vmem>>
      tpu.wait_dma2 semaphore(%arg15 : memref<!tpu.dma_semaphore, #tpu.memory_space<semaphore_mem>>) src(%dma_wait3A_580 : memref<128x128xf32, #tpu.memory_space<vmem>>) dst(%dma_wait3A_576 : memref<128x128xf32, #tpu.memory_space<hbm>>)
      %add3A_581 = arith.constant 4 : i32
      %add3A_582 = arith.addi %add3A_562, %add3A_581 : i32
      %dma_start3A_583 = arith.constant 2 : i32
      %dma_start3A_584 = arith.constant 0 : i32
      %dma_start3A_585 = arith.constant 0 : i32
      %dma_start3A_586 = tpu.memref_slice %arg6[%dma_start3A_583, %dma_start3A_584, %dma_start3A_585] : memref<6x128x128xf32, #tpu.memory_space<vmem>> -> memref<1x128x128xf32, #tpu.memory_space<vmem>>
      %dma_start3A_587 = tpu.memref_squeeze %dma_start3A_586 : memref<1x128x128xf32, #tpu.memory_space<vmem>> -> memref<128x128xf32, #tpu.memory_space<vmem>>
      %dma_start3A_588 = arith.constant 0 : i32
      %dma_start3A_589 = tpu.memref_slice %arg5[%add3A_582, %dma_start3A_588] : memref<50x128xi32, #tpu.memory_space<vmem>> -> memref<1x128xi32, #tpu.memory_space<vmem>>
      %dma_start3A_590 = tpu.memref_squeeze %dma_start3A_589 : memref<1x128xi32, #tpu.memory_space<vmem>> -> memref<128xi32, #tpu.memory_space<vmem>>
      %dma_start3A_591 = arith.constant 0 : i32
      %dma_start3A_592 = arith.constant 0 : i32
      %dma_start3A_593 = tpu.memref_slice %arg2[%dma_start3A_591, %dma_start3A_592] : memref<100000x128xf32, #tpu.memory_space<hbm>> -> memref<100000x128xf32, #tpu.memory_space<hbm>>
      tpu.enqueue_indirect_dma source(%dma_start3A_593 : memref<100000x128xf32, #tpu.memory_space<hbm>>) target(%dma_start3A_587 : memref<128x128xf32, #tpu.memory_space<vmem>>) offsets(%dma_start3A_590 : memref<128xi32, #tpu.memory_space<vmem>>) semaphore(%arg9 : memref<!tpu.dma_semaphore, #tpu.memory_space<semaphore_mem>>)
      %dma_wait3A_594 = arith.constant 4 : i32
      %dma_wait3A_595 = arith.constant 0 : i32
      %dma_wait3A_596 = arith.constant 0 : i32
      %dma_wait3A_597 = tpu.memref_slice %arg6[%dma_wait3A_594, %dma_wait3A_595, %dma_wait3A_596] : memref<6x128x128xf32, #tpu.memory_space<vmem>> -> memref<1x128x128xf32, #tpu.memory_space<vmem>>
      %dma_wait3A_598 = tpu.memref_squeeze %dma_wait3A_597 : memref<1x128x128xf32, #tpu.memory_space<vmem>> -> memref<128x128xf32, #tpu.memory_space<vmem>>
      %dma_wait3A_599 = arith.constant 0 : i32
      %dma_wait3A_600 = tpu.memref_slice %arg5[%add3A_562, %dma_wait3A_599] : memref<50x128xi32, #tpu.memory_space<vmem>> -> memref<1x128xi32, #tpu.memory_space<vmem>>
      %dma_wait3A_601 = tpu.memref_squeeze %dma_wait3A_600 : memref<1x128xi32, #tpu.memory_space<vmem>> -> memref<128xi32, #tpu.memory_space<vmem>>
      %dma_wait3A_602 = arith.constant 0 : i32
      %dma_wait3A_603 = arith.constant 0 : i32
      %dma_wait3A_604 = tpu.memref_slice %arg2[%dma_wait3A_602, %dma_wait3A_603] : memref<100000x128xf32, #tpu.memory_space<hbm>> -> memref<100000x128xf32, #tpu.memory_space<hbm>>
      tpu.wait_indirect_dma semaphore(%arg11 : memref<!tpu.dma_semaphore, #tpu.memory_space<semaphore_mem>>) src(%dma_wait3A_604 : memref<100000x128xf32, #tpu.memory_space<hbm>>) dst(%dma_wait3A_598 : memref<128x128xf32, #tpu.memory_space<vmem>>)
      %mul3A_605 = arith.constant 128 : i32
      %mul3A_606 = arith.muli %add3A_562, %mul3A_605 : i32
      %add3A_607 = arith.addi %mul3A_2, %mul3A_606 : i32
      %dma_start3A_608 = arith.constant 4 : i32
      %dma_start3A_609 = arith.constant 0 : i32
      %dma_start3A_610 = arith.constant 0 : i32
      %dma_start3A_611 = tpu.memref_slice %arg6[%dma_start3A_608, %dma_start3A_609, %dma_start3A_610] : memref<6x128x128xf32, #tpu.memory_space<vmem>> -> memref<1x128x128xf32, #tpu.memory_space<vmem>>
      %dma_start3A_612 = tpu.memref_squeeze %dma_start3A_611 : memref<1x128x128xf32, #tpu.memory_space<vmem>> -> memref<128x128xf32, #tpu.memory_space<vmem>>
      %dma_start3A_613 = arith.constant 0 : i32
      %dma_start3A_614 = tpu.memref_slice %arg4[%add3A_607, %dma_start3A_613] : memref<204800x128xf32, #tpu.memory_space<hbm>> -> memref<128x128xf32, #tpu.memory_space<hbm>>
      %dma_start3A_615 = arith.constant 0 : i32
      %dma_start3A_616 = tpu.memref_slice %arg4[%add3A_607, %dma_start3A_615] : memref<204800x128xf32, #tpu.memory_space<hbm>> -> memref<128x128xf32, #tpu.memory_space<hbm>>
      %dma_start3A_617 = arith.constant 0 : i32
      %dma_start3A_618 = arith.constant 0 : i32
      %dma_start3A_619 = tpu.memref_slice %arg6[%dma_start3A_608, %dma_start3A_617, %dma_start3A_618] : memref<6x128x128xf32, #tpu.memory_space<vmem>> -> memref<1x128x128xf32, #tpu.memory_space<vmem>>
      %dma_start3A_620 = tpu.memref_squeeze %dma_start3A_619 : memref<1x128x128xf32, #tpu.memory_space<vmem>> -> memref<128x128xf32, #tpu.memory_space<vmem>>
      tpu.enqueue_dma source(%dma_start3A_620 : memref<128x128xf32, #tpu.memory_space<vmem>>) target(%dma_start3A_616 : memref<128x128xf32, #tpu.memory_space<hbm>>) target_semaphore(%arg17 : memref<!tpu.dma_semaphore, #tpu.memory_space<semaphore_mem>>)
      %add3A_621 = arith.constant 3 : i32
      %add3A_622 = arith.addi %add3A_441, %add3A_621 : i32
      %sub3A_623 = arith.constant 2 : i32
      %sub3A_624 = arith.subi %add3A_622, %sub3A_623 : i32
      %mul3A_625 = arith.constant 128 : i32
      %mul3A_626 = arith.muli %sub3A_624, %mul3A_625 : i32
      %add3A_627 = arith.addi %mul3A_2, %mul3A_626 : i32
      %dma_wait3A_628 = arith.constant 3 : i32
      %dma_wait3A_629 = arith.constant 0 : i32
      %dma_wait3A_630 = arith.constant 0 : i32
      %dma_wait3A_631 = tpu.memref_slice %arg6[%dma_wait3A_628, %dma_wait3A_629, %dma_wait3A_630] : memref<6x128x128xf32, #tpu.memory_space<vmem>> -> memref<1x128x128xf32, #tpu.memory_space<vmem>>
      %dma_wait3A_632 = tpu.memref_squeeze %dma_wait3A_631 : memref<1x128x128xf32, #tpu.memory_space<vmem>> -> memref<128x128xf32, #tpu.memory_space<vmem>>
      %dma_wait3A_633 = arith.constant 0 : i32
      %dma_wait3A_634 = tpu.memref_slice %arg4[%add3A_627, %dma_wait3A_633] : memref<204800x128xf32, #tpu.memory_space<hbm>> -> memref<128x128xf32, #tpu.memory_space<hbm>>
      %dma_wait3A_635 = arith.constant 0 : i32
      %dma_wait3A_636 = tpu.memref_slice %arg4[%add3A_627, %dma_wait3A_635] : memref<204800x128xf32, #tpu.memory_space<hbm>> -> memref<128x128xf32, #tpu.memory_space<hbm>>
      %dma_wait3A_637 = arith.constant 0 : i32
      %dma_wait3A_638 = arith.constant 0 : i32
      %dma_wait3A_639 = tpu.memref_slice %arg6[%dma_wait3A_628, %dma_wait3A_637, %dma_wait3A_638] : memref<6x128x128xf32, #tpu.memory_space<vmem>> -> memref<1x128x128xf32, #tpu.memory_space<vmem>>
      %dma_wait3A_640 = tpu.memref_squeeze %dma_wait3A_639 : memref<1x128x128xf32, #tpu.memory_space<vmem>> -> memref<128x128xf32, #tpu.memory_space<vmem>>
      tpu.wait_dma2 semaphore(%arg16 : memref<!tpu.dma_semaphore, #tpu.memory_space<semaphore_mem>>) src(%dma_wait3A_640 : memref<128x128xf32, #tpu.memory_space<vmem>>) dst(%dma_wait3A_636 : memref<128x128xf32, #tpu.memory_space<hbm>>)
      %add3A_641 = arith.constant 4 : i32
      %add3A_642 = arith.addi %add3A_622, %add3A_641 : i32
      %dma_start3A_643 = arith.constant 3 : i32
      %dma_start3A_644 = arith.constant 0 : i32
      %dma_start3A_645 = arith.constant 0 : i32
      %dma_start3A_646 = tpu.memref_slice %arg6[%dma_start3A_643, %dma_start3A_644, %dma_start3A_645] : memref<6x128x128xf32, #tpu.memory_space<vmem>> -> memref<1x128x128xf32, #tpu.memory_space<vmem>>
      %dma_start3A_647 = tpu.memref_squeeze %dma_start3A_646 : memref<1x128x128xf32, #tpu.memory_space<vmem>> -> memref<128x128xf32, #tpu.memory_space<vmem>>
      %dma_start3A_648 = arith.constant 0 : i32
      %dma_start3A_649 = tpu.memref_slice %arg5[%add3A_642, %dma_start3A_648] : memref<50x128xi32, #tpu.memory_space<vmem>> -> memref<1x128xi32, #tpu.memory_space<vmem>>
      %dma_start3A_650 = tpu.memref_squeeze %dma_start3A_649 : memref<1x128xi32, #tpu.memory_space<vmem>> -> memref<128xi32, #tpu.memory_space<vmem>>
      %dma_start3A_651 = arith.constant 0 : i32
      %dma_start3A_652 = arith.constant 0 : i32
      %dma_start3A_653 = tpu.memref_slice %arg2[%dma_start3A_651, %dma_start3A_652] : memref<100000x128xf32, #tpu.memory_space<hbm>> -> memref<100000x128xf32, #tpu.memory_space<hbm>>
      tpu.enqueue_indirect_dma source(%dma_start3A_653 : memref<100000x128xf32, #tpu.memory_space<hbm>>) target(%dma_start3A_647 : memref<128x128xf32, #tpu.memory_space<vmem>>) offsets(%dma_start3A_650 : memref<128xi32, #tpu.memory_space<vmem>>) semaphore(%arg10 : memref<!tpu.dma_semaphore, #tpu.memory_space<semaphore_mem>>)
      %dma_wait3A_654 = arith.constant 5 : i32
      %dma_wait3A_655 = arith.constant 0 : i32
      %dma_wait3A_656 = arith.constant 0 : i32
      %dma_wait3A_657 = tpu.memref_slice %arg6[%dma_wait3A_654, %dma_wait3A_655, %dma_wait3A_656] : memref<6x128x128xf32, #tpu.memory_space<vmem>> -> memref<1x128x128xf32, #tpu.memory_space<vmem>>
      %dma_wait3A_658 = tpu.memref_squeeze %dma_wait3A_657 : memref<1x128x128xf32, #tpu.memory_space<vmem>> -> memref<128x128xf32, #tpu.memory_space<vmem>>
      %dma_wait3A_659 = arith.constant 0 : i32
      %dma_wait3A_660 = tpu.memref_slice %arg5[%add3A_622, %dma_wait3A_659] : memref<50x128xi32, #tpu.memory_space<vmem>> -> memref<1x128xi32, #tpu.memory_space<vmem>>
      %dma_wait3A_661 = tpu.memref_squeeze %dma_wait3A_660 : memref<1x128xi32, #tpu.memory_space<vmem>> -> memref<128xi32, #tpu.memory_space<vmem>>
      %dma_wait3A_662 = arith.constant 0 : i32
      %dma_wait3A_663 = arith.constant 0 : i32
      %dma_wait3A_664 = tpu.memref_slice %arg2[%dma_wait3A_662, %dma_wait3A_663] : memref<100000x128xf32, #tpu.memory_space<hbm>> -> memref<100000x128xf32, #tpu.memory_space<hbm>>
      tpu.wait_indirect_dma semaphore(%arg12 : memref<!tpu.dma_semaphore, #tpu.memory_space<semaphore_mem>>) src(%dma_wait3A_664 : memref<100000x128xf32, #tpu.memory_space<hbm>>) dst(%dma_wait3A_658 : memref<128x128xf32, #tpu.memory_space<vmem>>)
      %mul3A_665 = arith.constant 128 : i32
      %mul3A_666 = arith.muli %add3A_622, %mul3A_665 : i32
      %add3A_667 = arith.addi %mul3A_2, %mul3A_666 : i32
      %dma_start3A_668 = arith.constant 5 : i32
      %dma_start3A_669 = arith.constant 0 : i32
      %dma_start3A_670 = arith.constant 0 : i32
      %dma_start3A_671 = tpu.memref_slice %arg6[%dma_start3A_668, %dma_start3A_669, %dma_start3A_670] : memref<6x128x128xf32, #tpu.memory_space<vmem>> -> memref<1x128x128xf32, #tpu.memory_space<vmem>>
      %dma_start3A_672 = tpu.memref_squeeze %dma_start3A_671 : memref<1x128x128xf32, #tpu.memory_space<vmem>> -> memref<128x128xf32, #tpu.memory_space<vmem>>
      %dma_start3A_673 = arith.constant 0 : i32
      %dma_start3A_674 = tpu.memref_slice %arg4[%add3A_667, %dma_start3A_673] : memref<204800x128xf32, #tpu.memory_space<hbm>> -> memref<128x128xf32, #tpu.memory_space<hbm>>
      %dma_start3A_675 = arith.constant 0 : i32
      %dma_start3A_676 = tpu.memref_slice %arg4[%add3A_667, %dma_start3A_675] : memref<204800x128xf32, #tpu.memory_space<hbm>> -> memref<128x128xf32, #tpu.memory_space<hbm>>
      %dma_start3A_677 = arith.constant 0 : i32
      %dma_start3A_678 = arith.constant 0 : i32
      %dma_start3A_679 = tpu.memref_slice %arg6[%dma_start3A_668, %dma_start3A_677, %dma_start3A_678] : memref<6x128x128xf32, #tpu.memory_space<vmem>> -> memref<1x128x128xf32, #tpu.memory_space<vmem>>
      %dma_start3A_680 = tpu.memref_squeeze %dma_start3A_679 : memref<1x128x128xf32, #tpu.memory_space<vmem>> -> memref<128x128xf32, #tpu.memory_space<vmem>>
      tpu.enqueue_dma source(%dma_start3A_680 : memref<128x128xf32, #tpu.memory_space<vmem>>) target(%dma_start3A_676 : memref<128x128xf32, #tpu.memory_space<hbm>>) target_semaphore(%arg18 : memref<!tpu.dma_semaphore, #tpu.memory_space<semaphore_mem>>)
      %add3A_681 = arith.constant 4 : i32
      %add3A_682 = arith.addi %add3A_441, %add3A_681 : i32
      %sub3A_683 = arith.constant 2 : i32
      %sub3A_684 = arith.subi %add3A_682, %sub3A_683 : i32
      %mul3A_685 = arith.constant 128 : i32
      %mul3A_686 = arith.muli %sub3A_684, %mul3A_685 : i32
      %add3A_687 = arith.addi %mul3A_2, %mul3A_686 : i32
      %dma_wait3A_688 = arith.constant 4 : i32
      %dma_wait3A_689 = arith.constant 0 : i32
      %dma_wait3A_690 = arith.constant 0 : i32
      %dma_wait3A_691 = tpu.memref_slice %arg6[%dma_wait3A_688, %dma_wait3A_689, %dma_wait3A_690] : memref<6x128x128xf32, #tpu.memory_space<vmem>> -> memref<1x128x128xf32, #tpu.memory_space<vmem>>
      %dma_wait3A_692 = tpu.memref_squeeze %dma_wait3A_691 : memref<1x128x128xf32, #tpu.memory_space<vmem>> -> memref<128x128xf32, #tpu.memory_space<vmem>>
      %dma_wait3A_693 = arith.constant 0 : i32
      %dma_wait3A_694 = tpu.memref_slice %arg4[%add3A_687, %dma_wait3A_693] : memref<204800x128xf32, #tpu.memory_space<hbm>> -> memref<128x128xf32, #tpu.memory_space<hbm>>
      %dma_wait3A_695 = arith.constant 0 : i32
      %dma_wait3A_696 = tpu.memref_slice %arg4[%add3A_687, %dma_wait3A_695] : memref<204800x128xf32, #tpu.memory_space<hbm>> -> memref<128x128xf32, #tpu.memory_space<hbm>>
      %dma_wait3A_697 = arith.constant 0 : i32
      %dma_wait3A_698 = arith.constant 0 : i32
      %dma_wait3A_699 = tpu.memref_slice %arg6[%dma_wait3A_688, %dma_wait3A_697, %dma_wait3A_698] : memref<6x128x128xf32, #tpu.memory_space<vmem>> -> memref<1x128x128xf32, #tpu.memory_space<vmem>>
      %dma_wait3A_700 = tpu.memref_squeeze %dma_wait3A_699 : memref<1x128x128xf32, #tpu.memory_space<vmem>> -> memref<128x128xf32, #tpu.memory_space<vmem>>
      tpu.wait_dma2 semaphore(%arg17 : memref<!tpu.dma_semaphore, #tpu.memory_space<semaphore_mem>>) src(%dma_wait3A_700 : memref<128x128xf32, #tpu.memory_space<vmem>>) dst(%dma_wait3A_696 : memref<128x128xf32, #tpu.memory_space<hbm>>)
      %add3A_701 = arith.constant 4 : i32
      %add3A_702 = arith.addi %add3A_682, %add3A_701 : i32
      %dma_start3A_703 = arith.constant 4 : i32
      %dma_start3A_704 = arith.constant 0 : i32
      %dma_start3A_705 = arith.constant 0 : i32
      %dma_start3A_706 = tpu.memref_slice %arg6[%dma_start3A_703, %dma_start3A_704, %dma_start3A_705] : memref<6x128x128xf32, #tpu.memory_space<vmem>> -> memref<1x128x128xf32, #tpu.memory_space<vmem>>
      %dma_start3A_707 = tpu.memref_squeeze %dma_start3A_706 : memref<1x128x128xf32, #tpu.memory_space<vmem>> -> memref<128x128xf32, #tpu.memory_space<vmem>>
      %dma_start3A_708 = arith.constant 0 : i32
      %dma_start3A_709 = tpu.memref_slice %arg5[%add3A_702, %dma_start3A_708] : memref<50x128xi32, #tpu.memory_space<vmem>> -> memref<1x128xi32, #tpu.memory_space<vmem>>
      %dma_start3A_710 = tpu.memref_squeeze %dma_start3A_709 : memref<1x128xi32, #tpu.memory_space<vmem>> -> memref<128xi32, #tpu.memory_space<vmem>>
      %dma_start3A_711 = arith.constant 0 : i32
      %dma_start3A_712 = arith.constant 0 : i32
      %dma_start3A_713 = tpu.memref_slice %arg2[%dma_start3A_711, %dma_start3A_712] : memref<100000x128xf32, #tpu.memory_space<hbm>> -> memref<100000x128xf32, #tpu.memory_space<hbm>>
      tpu.enqueue_indirect_dma source(%dma_start3A_713 : memref<100000x128xf32, #tpu.memory_space<hbm>>) target(%dma_start3A_707 : memref<128x128xf32, #tpu.memory_space<vmem>>) offsets(%dma_start3A_710 : memref<128xi32, #tpu.memory_space<vmem>>) semaphore(%arg11 : memref<!tpu.dma_semaphore, #tpu.memory_space<semaphore_mem>>)
      %dma_wait3A_714 = arith.constant 0 : i32
      %dma_wait3A_715 = arith.constant 0 : i32
      %dma_wait3A_716 = arith.constant 0 : i32
      %dma_wait3A_717 = tpu.memref_slice %arg6[%dma_wait3A_714, %dma_wait3A_715, %dma_wait3A_716] : memref<6x128x128xf32, #tpu.memory_space<vmem>> -> memref<1x128x128xf32, #tpu.memory_space<vmem>>
      %dma_wait3A_718 = tpu.memref_squeeze %dma_wait3A_717 : memref<1x128x128xf32, #tpu.memory_space<vmem>> -> memref<128x128xf32, #tpu.memory_space<vmem>>
      %dma_wait3A_719 = arith.constant 0 : i32
      %dma_wait3A_720 = tpu.memref_slice %arg5[%add3A_682, %dma_wait3A_719] : memref<50x128xi32, #tpu.memory_space<vmem>> -> memref<1x128xi32, #tpu.memory_space<vmem>>
      %dma_wait3A_721 = tpu.memref_squeeze %dma_wait3A_720 : memref<1x128xi32, #tpu.memory_space<vmem>> -> memref<128xi32, #tpu.memory_space<vmem>>
      %dma_wait3A_722 = arith.constant 0 : i32
      %dma_wait3A_723 = arith.constant 0 : i32
      %dma_wait3A_724 = tpu.memref_slice %arg2[%dma_wait3A_722, %dma_wait3A_723] : memref<100000x128xf32, #tpu.memory_space<hbm>> -> memref<100000x128xf32, #tpu.memory_space<hbm>>
      tpu.wait_indirect_dma semaphore(%arg7 : memref<!tpu.dma_semaphore, #tpu.memory_space<semaphore_mem>>) src(%dma_wait3A_724 : memref<100000x128xf32, #tpu.memory_space<hbm>>) dst(%dma_wait3A_718 : memref<128x128xf32, #tpu.memory_space<vmem>>)
      %mul3A_725 = arith.constant 128 : i32
      %mul3A_726 = arith.muli %add3A_682, %mul3A_725 : i32
      %add3A_727 = arith.addi %mul3A_2, %mul3A_726 : i32
      %dma_start3A_728 = arith.constant 0 : i32
      %dma_start3A_729 = arith.constant 0 : i32
      %dma_start3A_730 = arith.constant 0 : i32
      %dma_start3A_731 = tpu.memref_slice %arg6[%dma_start3A_728, %dma_start3A_729, %dma_start3A_730] : memref<6x128x128xf32, #tpu.memory_space<vmem>> -> memref<1x128x128xf32, #tpu.memory_space<vmem>>
      %dma_start3A_732 = tpu.memref_squeeze %dma_start3A_731 : memref<1x128x128xf32, #tpu.memory_space<vmem>> -> memref<128x128xf32, #tpu.memory_space<vmem>>
      %dma_start3A_733 = arith.constant 0 : i32
      %dma_start3A_734 = tpu.memref_slice %arg4[%add3A_727, %dma_start3A_733] : memref<204800x128xf32, #tpu.memory_space<hbm>> -> memref<128x128xf32, #tpu.memory_space<hbm>>
      %dma_start3A_735 = arith.constant 0 : i32
      %dma_start3A_736 = tpu.memref_slice %arg4[%add3A_727, %dma_start3A_735] : memref<204800x128xf32, #tpu.memory_space<hbm>> -> memref<128x128xf32, #tpu.memory_space<hbm>>
      %dma_start3A_737 = arith.constant 0 : i32
      %dma_start3A_738 = arith.constant 0 : i32
      %dma_start3A_739 = tpu.memref_slice %arg6[%dma_start3A_728, %dma_start3A_737, %dma_start3A_738] : memref<6x128x128xf32, #tpu.memory_space<vmem>> -> memref<1x128x128xf32, #tpu.memory_space<vmem>>
      %dma_start3A_740 = tpu.memref_squeeze %dma_start3A_739 : memref<1x128x128xf32, #tpu.memory_space<vmem>> -> memref<128x128xf32, #tpu.memory_space<vmem>>
      tpu.enqueue_dma source(%dma_start3A_740 : memref<128x128xf32, #tpu.memory_space<vmem>>) target(%dma_start3A_736 : memref<128x128xf32, #tpu.memory_space<hbm>>) target_semaphore(%arg13 : memref<!tpu.dma_semaphore, #tpu.memory_space<semaphore_mem>>)
      %add3A_741 = arith.constant 5 : i32
      %add3A_742 = arith.addi %add3A_441, %add3A_741 : i32
      %sub3A_743 = arith.constant 2 : i32
      %sub3A_744 = arith.subi %add3A_742, %sub3A_743 : i32
      %mul3A_745 = arith.constant 128 : i32
      %mul3A_746 = arith.muli %sub3A_744, %mul3A_745 : i32
      %add3A_747 = arith.addi %mul3A_2, %mul3A_746 : i32
      %dma_wait3A_748 = arith.constant 5 : i32
      %dma_wait3A_749 = arith.constant 0 : i32
      %dma_wait3A_750 = arith.constant 0 : i32
      %dma_wait3A_751 = tpu.memref_slice %arg6[%dma_wait3A_748, %dma_wait3A_749, %dma_wait3A_750] : memref<6x128x128xf32, #tpu.memory_space<vmem>> -> memref<1x128x128xf32, #tpu.memory_space<vmem>>
      %dma_wait3A_752 = tpu.memref_squeeze %dma_wait3A_751 : memref<1x128x128xf32, #tpu.memory_space<vmem>> -> memref<128x128xf32, #tpu.memory_space<vmem>>
      %dma_wait3A_753 = arith.constant 0 : i32
      %dma_wait3A_754 = tpu.memref_slice %arg4[%add3A_747, %dma_wait3A_753] : memref<204800x128xf32, #tpu.memory_space<hbm>> -> memref<128x128xf32, #tpu.memory_space<hbm>>
      %dma_wait3A_755 = arith.constant 0 : i32
      %dma_wait3A_756 = tpu.memref_slice %arg4[%add3A_747, %dma_wait3A_755] : memref<204800x128xf32, #tpu.memory_space<hbm>> -> memref<128x128xf32, #tpu.memory_space<hbm>>
      %dma_wait3A_757 = arith.constant 0 : i32
      %dma_wait3A_758 = arith.constant 0 : i32
      %dma_wait3A_759 = tpu.memref_slice %arg6[%dma_wait3A_748, %dma_wait3A_757, %dma_wait3A_758] : memref<6x128x128xf32, #tpu.memory_space<vmem>> -> memref<1x128x128xf32, #tpu.memory_space<vmem>>
      %dma_wait3A_760 = tpu.memref_squeeze %dma_wait3A_759 : memref<1x128x128xf32, #tpu.memory_space<vmem>> -> memref<128x128xf32, #tpu.memory_space<vmem>>
      tpu.wait_dma2 semaphore(%arg18 : memref<!tpu.dma_semaphore, #tpu.memory_space<semaphore_mem>>) src(%dma_wait3A_760 : memref<128x128xf32, #tpu.memory_space<vmem>>) dst(%dma_wait3A_756 : memref<128x128xf32, #tpu.memory_space<hbm>>)
      %add3A_761 = arith.constant 4 : i32
      %add3A_762 = arith.addi %add3A_742, %add3A_761 : i32
      %dma_start3A_763 = arith.constant 5 : i32
      %dma_start3A_764 = arith.constant 0 : i32
      %dma_start3A_765 = arith.constant 0 : i32
      %dma_start3A_766 = tpu.memref_slice %arg6[%dma_start3A_763, %dma_start3A_764, %dma_start3A_765] : memref<6x128x128xf32, #tpu.memory_space<vmem>> -> memref<1x128x128xf32, #tpu.memory_space<vmem>>
      %dma_start3A_767 = tpu.memref_squeeze %dma_start3A_766 : memref<1x128x128xf32, #tpu.memory_space<vmem>> -> memref<128x128xf32, #tpu.memory_space<vmem>>
      %dma_start3A_768 = arith.constant 0 : i32
      %dma_start3A_769 = tpu.memref_slice %arg5[%add3A_762, %dma_start3A_768] : memref<50x128xi32, #tpu.memory_space<vmem>> -> memref<1x128xi32, #tpu.memory_space<vmem>>
      %dma_start3A_770 = tpu.memref_squeeze %dma_start3A_769 : memref<1x128xi32, #tpu.memory_space<vmem>> -> memref<128xi32, #tpu.memory_space<vmem>>
      %dma_start3A_771 = arith.constant 0 : i32
      %dma_start3A_772 = arith.constant 0 : i32
      %dma_start3A_773 = tpu.memref_slice %arg2[%dma_start3A_771, %dma_start3A_772] : memref<100000x128xf32, #tpu.memory_space<hbm>> -> memref<100000x128xf32, #tpu.memory_space<hbm>>
      tpu.enqueue_indirect_dma source(%dma_start3A_773 : memref<100000x128xf32, #tpu.memory_space<hbm>>) target(%dma_start3A_767 : memref<128x128xf32, #tpu.memory_space<vmem>>) offsets(%dma_start3A_770 : memref<128xi32, #tpu.memory_space<vmem>>) semaphore(%arg12 : memref<!tpu.dma_semaphore, #tpu.memory_space<semaphore_mem>>)
      %dma_wait3A_774 = arith.constant 1 : i32
      %dma_wait3A_775 = arith.constant 0 : i32
      %dma_wait3A_776 = arith.constant 0 : i32
      %dma_wait3A_777 = tpu.memref_slice %arg6[%dma_wait3A_774, %dma_wait3A_775, %dma_wait3A_776] : memref<6x128x128xf32, #tpu.memory_space<vmem>> -> memref<1x128x128xf32, #tpu.memory_space<vmem>>
      %dma_wait3A_778 = tpu.memref_squeeze %dma_wait3A_777 : memref<1x128x128xf32, #tpu.memory_space<vmem>> -> memref<128x128xf32, #tpu.memory_space<vmem>>
      %dma_wait3A_779 = arith.constant 0 : i32
      %dma_wait3A_780 = tpu.memref_slice %arg5[%add3A_742, %dma_wait3A_779] : memref<50x128xi32, #tpu.memory_space<vmem>> -> memref<1x128xi32, #tpu.memory_space<vmem>>
      %dma_wait3A_781 = tpu.memref_squeeze %dma_wait3A_780 : memref<1x128xi32, #tpu.memory_space<vmem>> -> memref<128xi32, #tpu.memory_space<vmem>>
      %dma_wait3A_782 = arith.constant 0 : i32
      %dma_wait3A_783 = arith.constant 0 : i32
      %dma_wait3A_784 = tpu.memref_slice %arg2[%dma_wait3A_782, %dma_wait3A_783] : memref<100000x128xf32, #tpu.memory_space<hbm>> -> memref<100000x128xf32, #tpu.memory_space<hbm>>
      tpu.wait_indirect_dma semaphore(%arg8 : memref<!tpu.dma_semaphore, #tpu.memory_space<semaphore_mem>>) src(%dma_wait3A_784 : memref<100000x128xf32, #tpu.memory_space<hbm>>) dst(%dma_wait3A_778 : memref<128x128xf32, #tpu.memory_space<vmem>>)
      %mul3A_785 = arith.constant 128 : i32
      %mul3A_786 = arith.muli %add3A_742, %mul3A_785 : i32
      %add3A_787 = arith.addi %mul3A_2, %mul3A_786 : i32
      %dma_start3A_788 = arith.constant 1 : i32
      %dma_start3A_789 = arith.constant 0 : i32
      %dma_start3A_790 = arith.constant 0 : i32
      %dma_start3A_791 = tpu.memref_slice %arg6[%dma_start3A_788, %dma_start3A_789, %dma_start3A_790] : memref<6x128x128xf32, #tpu.memory_space<vmem>> -> memref<1x128x128xf32, #tpu.memory_space<vmem>>
      %dma_start3A_792 = tpu.memref_squeeze %dma_start3A_791 : memref<1x128x128xf32, #tpu.memory_space<vmem>> -> memref<128x128xf32, #tpu.memory_space<vmem>>
      %dma_start3A_793 = arith.constant 0 : i32
      %dma_start3A_794 = tpu.memref_slice %arg4[%add3A_787, %dma_start3A_793] : memref<204800x128xf32, #tpu.memory_space<hbm>> -> memref<128x128xf32, #tpu.memory_space<hbm>>
      %dma_start3A_795 = arith.constant 0 : i32
      %dma_start3A_796 = tpu.memref_slice %arg4[%add3A_787, %dma_start3A_795] : memref<204800x128xf32, #tpu.memory_space<hbm>> -> memref<128x128xf32, #tpu.memory_space<hbm>>
      %dma_start3A_797 = arith.constant 0 : i32
      %dma_start3A_798 = arith.constant 0 : i32
      %dma_start3A_799 = tpu.memref_slice %arg6[%dma_start3A_788, %dma_start3A_797, %dma_start3A_798] : memref<6x128x128xf32, #tpu.memory_space<vmem>> -> memref<1x128x128xf32, #tpu.memory_space<vmem>>
      %dma_start3A_800 = tpu.memref_squeeze %dma_start3A_799 : memref<1x128x128xf32, #tpu.memory_space<vmem>> -> memref<128x128xf32, #tpu.memory_space<vmem>>
      tpu.enqueue_dma source(%dma_start3A_800 : memref<128x128xf32, #tpu.memory_space<vmem>>) target(%dma_start3A_796 : memref<128x128xf32, #tpu.memory_space<hbm>>) target_semaphore(%arg14 : memref<!tpu.dma_semaphore, #tpu.memory_space<semaphore_mem>>)
    }
    %scan3A_130 = arith.constant 7 : i32
    %add3A_131 = arith.constant 5376 : i32
    %add3A_132 = arith.addi %mul3A_2, %add3A_131 : i32
    %dma_wait3A_133 = arith.constant 0 : i32
    %dma_wait3A_134 = arith.constant 0 : i32
    %dma_wait3A_135 = arith.constant 0 : i32
    %dma_wait3A_136 = tpu.memref_slice %arg6[%dma_wait3A_133, %dma_wait3A_134, %dma_wait3A_135] : memref<6x128x128xf32, #tpu.memory_space<vmem>> -> memref<1x128x128xf32, #tpu.memory_space<vmem>>
    %dma_wait3A_137 = tpu.memref_squeeze %dma_wait3A_136 : memref<1x128x128xf32, #tpu.memory_space<vmem>> -> memref<128x128xf32, #tpu.memory_space<vmem>>
    %dma_wait3A_138 = arith.constant 0 : i32
    %dma_wait3A_139 = tpu.memref_slice %arg4[%add3A_132, %dma_wait3A_138] : memref<204800x128xf32, #tpu.memory_space<hbm>> -> memref<128x128xf32, #tpu.memory_space<hbm>>
    %dma_wait3A_140 = arith.constant 0 : i32
    %dma_wait3A_141 = tpu.memref_slice %arg4[%add3A_132, %dma_wait3A_140] : memref<204800x128xf32, #tpu.memory_space<hbm>> -> memref<128x128xf32, #tpu.memory_space<hbm>>
    %dma_wait3A_142 = arith.constant 0 : i32
    %dma_wait3A_143 = arith.constant 0 : i32
    %dma_wait3A_144 = tpu.memref_slice %arg6[%dma_wait3A_133, %dma_wait3A_142, %dma_wait3A_143] : memref<6x128x128xf32, #tpu.memory_space<vmem>> -> memref<1x128x128xf32, #tpu.memory_space<vmem>>
    %dma_wait3A_145 = tpu.memref_squeeze %dma_wait3A_144 : memref<1x128x128xf32, #tpu.memory_space<vmem>> -> memref<128x128xf32, #tpu.memory_space<vmem>>
    tpu.wait_dma2 semaphore(%arg13 : memref<!tpu.dma_semaphore, #tpu.memory_space<semaphore_mem>>) src(%dma_wait3A_145 : memref<128x128xf32, #tpu.memory_space<vmem>>) dst(%dma_wait3A_141 : memref<128x128xf32, #tpu.memory_space<hbm>>)
    %dma_start3A_146 = arith.constant 48 : i32
    %dma_start3A_147 = arith.constant 0 : i32
    %dma_start3A_148 = arith.constant 0 : i32
    %dma_start3A_149 = arith.constant 0 : i32
    %dma_start3A_150 = tpu.memref_slice %arg6[%dma_start3A_147, %dma_start3A_148, %dma_start3A_149] : memref<6x128x128xf32, #tpu.memory_space<vmem>> -> memref<1x128x128xf32, #tpu.memory_space<vmem>>
    %dma_start3A_151 = tpu.memref_squeeze %dma_start3A_150 : memref<1x128x128xf32, #tpu.memory_space<vmem>> -> memref<128x128xf32, #tpu.memory_space<vmem>>
    %dma_start3A_152 = arith.constant 0 : i32
    %dma_start3A_153 = tpu.memref_slice %arg5[%dma_start3A_146, %dma_start3A_152] : memref<50x128xi32, #tpu.memory_space<vmem>> -> memref<1x128xi32, #tpu.memory_space<vmem>>
    %dma_start3A_154 = tpu.memref_squeeze %dma_start3A_153 : memref<1x128xi32, #tpu.memory_space<vmem>> -> memref<128xi32, #tpu.memory_space<vmem>>
    %dma_start3A_155 = arith.constant 0 : i32
    %dma_start3A_156 = arith.constant 0 : i32
    %dma_start3A_157 = tpu.memref_slice %arg2[%dma_start3A_155, %dma_start3A_156] : memref<100000x128xf32, #tpu.memory_space<hbm>> -> memref<100000x128xf32, #tpu.memory_space<hbm>>
    tpu.enqueue_indirect_dma source(%dma_start3A_157 : memref<100000x128xf32, #tpu.memory_space<hbm>>) target(%dma_start3A_151 : memref<128x128xf32, #tpu.memory_space<vmem>>) offsets(%dma_start3A_154 : memref<128xi32, #tpu.memory_space<vmem>>) semaphore(%arg7 : memref<!tpu.dma_semaphore, #tpu.memory_space<semaphore_mem>>)
    %dma_wait3A_158 = arith.constant 44 : i32
    %dma_wait3A_159 = arith.constant 2 : i32
    %dma_wait3A_160 = arith.constant 0 : i32
    %dma_wait3A_161 = arith.constant 0 : i32
    %dma_wait3A_162 = tpu.memref_slice %arg6[%dma_wait3A_159, %dma_wait3A_160, %dma_wait3A_161] : memref<6x128x128xf32, #tpu.memory_space<vmem>> -> memref<1x128x128xf32, #tpu.memory_space<vmem>>
    %dma_wait3A_163 = tpu.memref_squeeze %dma_wait3A_162 : memref<1x128x128xf32, #tpu.memory_space<vmem>> -> memref<128x128xf32, #tpu.memory_space<vmem>>
    %dma_wait3A_164 = arith.constant 0 : i32
    %dma_wait3A_165 = tpu.memref_slice %arg5[%dma_wait3A_158, %dma_wait3A_164] : memref<50x128xi32, #tpu.memory_space<vmem>> -> memref<1x128xi32, #tpu.memory_space<vmem>>
    %dma_wait3A_166 = tpu.memref_squeeze %dma_wait3A_165 : memref<1x128xi32, #tpu.memory_space<vmem>> -> memref<128xi32, #tpu.memory_space<vmem>>
    %dma_wait3A_167 = arith.constant 0 : i32
    %dma_wait3A_168 = arith.constant 0 : i32
    %dma_wait3A_169 = tpu.memref_slice %arg2[%dma_wait3A_167, %dma_wait3A_168] : memref<100000x128xf32, #tpu.memory_space<hbm>> -> memref<100000x128xf32, #tpu.memory_space<hbm>>
    tpu.wait_indirect_dma semaphore(%arg9 : memref<!tpu.dma_semaphore, #tpu.memory_space<semaphore_mem>>) src(%dma_wait3A_169 : memref<100000x128xf32, #tpu.memory_space<hbm>>) dst(%dma_wait3A_163 : memref<128x128xf32, #tpu.memory_space<vmem>>)
    %add3A_170 = arith.constant 5632 : i32
    %add3A_171 = arith.addi %mul3A_2, %add3A_170 : i32
    %dma_start3A_172 = arith.constant 2 : i32
    %dma_start3A_173 = arith.constant 0 : i32
    %dma_start3A_174 = arith.constant 0 : i32
    %dma_start3A_175 = tpu.memref_slice %arg6[%dma_start3A_172, %dma_start3A_173, %dma_start3A_174] : memref<6x128x128xf32, #tpu.memory_space<vmem>> -> memref<1x128x128xf32, #tpu.memory_space<vmem>>
    %dma_start3A_176 = tpu.memref_squeeze %dma_start3A_175 : memref<1x128x128xf32, #tpu.memory_space<vmem>> -> memref<128x128xf32, #tpu.memory_space<vmem>>
    %dma_start3A_177 = arith.constant 0 : i32
    %dma_start3A_178 = tpu.memref_slice %arg4[%add3A_171, %dma_start3A_177] : memref<204800x128xf32, #tpu.memory_space<hbm>> -> memref<128x128xf32, #tpu.memory_space<hbm>>
    %dma_start3A_179 = arith.constant 0 : i32
    %dma_start3A_180 = tpu.memref_slice %arg4[%add3A_171, %dma_start3A_179] : memref<204800x128xf32, #tpu.memory_space<hbm>> -> memref<128x128xf32, #tpu.memory_space<hbm>>
    %dma_start3A_181 = arith.constant 0 : i32
    %dma_start3A_182 = arith.constant 0 : i32
    %dma_start3A_183 = tpu.memref_slice %arg6[%dma_start3A_172, %dma_start3A_181, %dma_start3A_182] : memref<6x128x128xf32, #tpu.memory_space<vmem>> -> memref<1x128x128xf32, #tpu.memory_space<vmem>>
    %dma_start3A_184 = tpu.memref_squeeze %dma_start3A_183 : memref<1x128x128xf32, #tpu.memory_space<vmem>> -> memref<128x128xf32, #tpu.memory_space<vmem>>
    tpu.enqueue_dma source(%dma_start3A_184 : memref<128x128xf32, #tpu.memory_space<vmem>>) target(%dma_start3A_180 : memref<128x128xf32, #tpu.memory_space<hbm>>) target_semaphore(%arg15 : memref<!tpu.dma_semaphore, #tpu.memory_space<semaphore_mem>>)
    %add3A_185 = arith.constant 5504 : i32
    %add3A_186 = arith.addi %mul3A_2, %add3A_185 : i32
    %dma_wait3A_187 = arith.constant 1 : i32
    %dma_wait3A_188 = arith.constant 0 : i32
    %dma_wait3A_189 = arith.constant 0 : i32
    %dma_wait3A_190 = tpu.memref_slice %arg6[%dma_wait3A_187, %dma_wait3A_188, %dma_wait3A_189] : memref<6x128x128xf32, #tpu.memory_space<vmem>> -> memref<1x128x128xf32, #tpu.memory_space<vmem>>
    %dma_wait3A_191 = tpu.memref_squeeze %dma_wait3A_190 : memref<1x128x128xf32, #tpu.memory_space<vmem>> -> memref<128x128xf32, #tpu.memory_space<vmem>>
    %dma_wait3A_192 = arith.constant 0 : i32
    %dma_wait3A_193 = tpu.memref_slice %arg4[%add3A_186, %dma_wait3A_192] : memref<204800x128xf32, #tpu.memory_space<hbm>> -> memref<128x128xf32, #tpu.memory_space<hbm>>
    %dma_wait3A_194 = arith.constant 0 : i32
    %dma_wait3A_195 = tpu.memref_slice %arg4[%add3A_186, %dma_wait3A_194] : memref<204800x128xf32, #tpu.memory_space<hbm>> -> memref<128x128xf32, #tpu.memory_space<hbm>>
    %dma_wait3A_196 = arith.constant 0 : i32
    %dma_wait3A_197 = arith.constant 0 : i32
    %dma_wait3A_198 = tpu.memref_slice %arg6[%dma_wait3A_187, %dma_wait3A_196, %dma_wait3A_197] : memref<6x128x128xf32, #tpu.memory_space<vmem>> -> memref<1x128x128xf32, #tpu.memory_space<vmem>>
    %dma_wait3A_199 = tpu.memref_squeeze %dma_wait3A_198 : memref<1x128x128xf32, #tpu.memory_space<vmem>> -> memref<128x128xf32, #tpu.memory_space<vmem>>
    tpu.wait_dma2 semaphore(%arg14 : memref<!tpu.dma_semaphore, #tpu.memory_space<semaphore_mem>>) src(%dma_wait3A_199 : memref<128x128xf32, #tpu.memory_space<vmem>>) dst(%dma_wait3A_195 : memref<128x128xf32, #tpu.memory_space<hbm>>)
    %dma_start3A_200 = arith.constant 49 : i32
    %dma_start3A_201 = arith.constant 1 : i32
    %dma_start3A_202 = arith.constant 0 : i32
    %dma_start3A_203 = arith.constant 0 : i32
    %dma_start3A_204 = tpu.memref_slice %arg6[%dma_start3A_201, %dma_start3A_202, %dma_start3A_203] : memref<6x128x128xf32, #tpu.memory_space<vmem>> -> memref<1x128x128xf32, #tpu.memory_space<vmem>>
    %dma_start3A_205 = tpu.memref_squeeze %dma_start3A_204 : memref<1x128x128xf32, #tpu.memory_space<vmem>> -> memref<128x128xf32, #tpu.memory_space<vmem>>
    %dma_start3A_206 = arith.constant 0 : i32
    %dma_start3A_207 = tpu.memref_slice %arg5[%dma_start3A_200, %dma_start3A_206] : memref<50x128xi32, #tpu.memory_space<vmem>> -> memref<1x128xi32, #tpu.memory_space<vmem>>
    %dma_start3A_208 = tpu.memref_squeeze %dma_start3A_207 : memref<1x128xi32, #tpu.memory_space<vmem>> -> memref<128xi32, #tpu.memory_space<vmem>>
    %dma_start3A_209 = arith.constant 0 : i32
    %dma_start3A_210 = arith.constant 0 : i32
    %dma_start3A_211 = tpu.memref_slice %arg2[%dma_start3A_209, %dma_start3A_210] : memref<100000x128xf32, #tpu.memory_space<hbm>> -> memref<100000x128xf32, #tpu.memory_space<hbm>>
    tpu.enqueue_indirect_dma source(%dma_start3A_211 : memref<100000x128xf32, #tpu.memory_space<hbm>>) target(%dma_start3A_205 : memref<128x128xf32, #tpu.memory_space<vmem>>) offsets(%dma_start3A_208 : memref<128xi32, #tpu.memory_space<vmem>>) semaphore(%arg8 : memref<!tpu.dma_semaphore, #tpu.memory_space<semaphore_mem>>)
    %dma_wait3A_212 = arith.constant 45 : i32
    %dma_wait3A_213 = arith.constant 3 : i32
    %dma_wait3A_214 = arith.constant 0 : i32
    %dma_wait3A_215 = arith.constant 0 : i32
    %dma_wait3A_216 = tpu.memref_slice %arg6[%dma_wait3A_213, %dma_wait3A_214, %dma_wait3A_215] : memref<6x128x128xf32, #tpu.memory_space<vmem>> -> memref<1x128x128xf32, #tpu.memory_space<vmem>>
    %dma_wait3A_217 = tpu.memref_squeeze %dma_wait3A_216 : memref<1x128x128xf32, #tpu.memory_space<vmem>> -> memref<128x128xf32, #tpu.memory_space<vmem>>
    %dma_wait3A_218 = arith.constant 0 : i32
    %dma_wait3A_219 = tpu.memref_slice %arg5[%dma_wait3A_212, %dma_wait3A_218] : memref<50x128xi32, #tpu.memory_space<vmem>> -> memref<1x128xi32, #tpu.memory_space<vmem>>
    %dma_wait3A_220 = tpu.memref_squeeze %dma_wait3A_219 : memref<1x128xi32, #tpu.memory_space<vmem>> -> memref<128xi32, #tpu.memory_space<vmem>>
    %dma_wait3A_221 = arith.constant 0 : i32
    %dma_wait3A_222 = arith.constant 0 : i32
    %dma_wait3A_223 = tpu.memref_slice %arg2[%dma_wait3A_221, %dma_wait3A_222] : memref<100000x128xf32, #tpu.memory_space<hbm>> -> memref<100000x128xf32, #tpu.memory_space<hbm>>
    tpu.wait_indirect_dma semaphore(%arg10 : memref<!tpu.dma_semaphore, #tpu.memory_space<semaphore_mem>>) src(%dma_wait3A_223 : memref<100000x128xf32, #tpu.memory_space<hbm>>) dst(%dma_wait3A_217 : memref<128x128xf32, #tpu.memory_space<vmem>>)
    %add3A_224 = arith.constant 5760 : i32
    %add3A_225 = arith.addi %mul3A_2, %add3A_224 : i32
    %dma_start3A_226 = arith.constant 3 : i32
    %dma_start3A_227 = arith.constant 0 : i32
    %dma_start3A_228 = arith.constant 0 : i32
    %dma_start3A_229 = tpu.memref_slice %arg6[%dma_start3A_226, %dma_start3A_227, %dma_start3A_228] : memref<6x128x128xf32, #tpu.memory_space<vmem>> -> memref<1x128x128xf32, #tpu.memory_space<vmem>>
    %dma_start3A_230 = tpu.memref_squeeze %dma_start3A_229 : memref<1x128x128xf32, #tpu.memory_space<vmem>> -> memref<128x128xf32, #tpu.memory_space<vmem>>
    %dma_start3A_231 = arith.constant 0 : i32
    %dma_start3A_232 = tpu.memref_slice %arg4[%add3A_225, %dma_start3A_231] : memref<204800x128xf32, #tpu.memory_space<hbm>> -> memref<128x128xf32, #tpu.memory_space<hbm>>
    %dma_start3A_233 = arith.constant 0 : i32
    %dma_start3A_234 = tpu.memref_slice %arg4[%add3A_225, %dma_start3A_233] : memref<204800x128xf32, #tpu.memory_space<hbm>> -> memref<128x128xf32, #tpu.memory_space<hbm>>
    %dma_start3A_235 = arith.constant 0 : i32
    %dma_start3A_236 = arith.constant 0 : i32
    %dma_start3A_237 = tpu.memref_slice %arg6[%dma_start3A_226, %dma_start3A_235, %dma_start3A_236] : memref<6x128x128xf32, #tpu.memory_space<vmem>> -> memref<1x128x128xf32, #tpu.memory_space<vmem>>
    %dma_start3A_238 = tpu.memref_squeeze %dma_start3A_237 : memref<1x128x128xf32, #tpu.memory_space<vmem>> -> memref<128x128xf32, #tpu.memory_space<vmem>>
    tpu.enqueue_dma source(%dma_start3A_238 : memref<128x128xf32, #tpu.memory_space<vmem>>) target(%dma_start3A_234 : memref<128x128xf32, #tpu.memory_space<hbm>>) target_semaphore(%arg16 : memref<!tpu.dma_semaphore, #tpu.memory_space<semaphore_mem>>)
    %dma_wait3A_239 = arith.constant 46 : i32
    %dma_wait3A_240 = arith.constant 4 : i32
    %dma_wait3A_241 = arith.constant 0 : i32
    %dma_wait3A_242 = arith.constant 0 : i32
    %dma_wait3A_243 = tpu.memref_slice %arg6[%dma_wait3A_240, %dma_wait3A_241, %dma_wait3A_242] : memref<6x128x128xf32, #tpu.memory_space<vmem>> -> memref<1x128x128xf32, #tpu.memory_space<vmem>>
    %dma_wait3A_244 = tpu.memref_squeeze %dma_wait3A_243 : memref<1x128x128xf32, #tpu.memory_space<vmem>> -> memref<128x128xf32, #tpu.memory_space<vmem>>
    %dma_wait3A_245 = arith.constant 0 : i32
    %dma_wait3A_246 = tpu.memref_slice %arg5[%dma_wait3A_239, %dma_wait3A_245] : memref<50x128xi32, #tpu.memory_space<vmem>> -> memref<1x128xi32, #tpu.memory_space<vmem>>
    %dma_wait3A_247 = tpu.memref_squeeze %dma_wait3A_246 : memref<1x128xi32, #tpu.memory_space<vmem>> -> memref<128xi32, #tpu.memory_space<vmem>>
    %dma_wait3A_248 = arith.constant 0 : i32
    %dma_wait3A_249 = arith.constant 0 : i32
    %dma_wait3A_250 = tpu.memref_slice %arg2[%dma_wait3A_248, %dma_wait3A_249] : memref<100000x128xf32, #tpu.memory_space<hbm>> -> memref<100000x128xf32, #tpu.memory_space<hbm>>
    tpu.wait_indirect_dma semaphore(%arg11 : memref<!tpu.dma_semaphore, #tpu.memory_space<semaphore_mem>>) src(%dma_wait3A_250 : memref<100000x128xf32, #tpu.memory_space<hbm>>) dst(%dma_wait3A_244 : memref<128x128xf32, #tpu.memory_space<vmem>>)
    %add3A_251 = arith.constant 5888 : i32
    %add3A_252 = arith.addi %mul3A_2, %add3A_251 : i32
    %dma_start3A_253 = arith.constant 4 : i32
    %dma_start3A_254 = arith.constant 0 : i32
    %dma_start3A_255 = arith.constant 0 : i32
    %dma_start3A_256 = tpu.memref_slice %arg6[%dma_start3A_253, %dma_start3A_254, %dma_start3A_255] : memref<6x128x128xf32, #tpu.memory_space<vmem>> -> memref<1x128x128xf32, #tpu.memory_space<vmem>>
    %dma_start3A_257 = tpu.memref_squeeze %dma_start3A_256 : memref<1x128x128xf32, #tpu.memory_space<vmem>> -> memref<128x128xf32, #tpu.memory_space<vmem>>
    %dma_start3A_258 = arith.constant 0 : i32
    %dma_start3A_259 = tpu.memref_slice %arg4[%add3A_252, %dma_start3A_258] : memref<204800x128xf32, #tpu.memory_space<hbm>> -> memref<128x128xf32, #tpu.memory_space<hbm>>
    %dma_start3A_260 = arith.constant 0 : i32
    %dma_start3A_261 = tpu.memref_slice %arg4[%add3A_252, %dma_start3A_260] : memref<204800x128xf32, #tpu.memory_space<hbm>> -> memref<128x128xf32, #tpu.memory_space<hbm>>
    %dma_start3A_262 = arith.constant 0 : i32
    %dma_start3A_263 = arith.constant 0 : i32
    %dma_start3A_264 = tpu.memref_slice %arg6[%dma_start3A_253, %dma_start3A_262, %dma_start3A_263] : memref<6x128x128xf32, #tpu.memory_space<vmem>> -> memref<1x128x128xf32, #tpu.memory_space<vmem>>
    %dma_start3A_265 = tpu.memref_squeeze %dma_start3A_264 : memref<1x128x128xf32, #tpu.memory_space<vmem>> -> memref<128x128xf32, #tpu.memory_space<vmem>>
    tpu.enqueue_dma source(%dma_start3A_265 : memref<128x128xf32, #tpu.memory_space<vmem>>) target(%dma_start3A_261 : memref<128x128xf32, #tpu.memory_space<hbm>>) target_semaphore(%arg17 : memref<!tpu.dma_semaphore, #tpu.memory_space<semaphore_mem>>)
    %dma_wait3A_266 = arith.constant 47 : i32
    %dma_wait3A_267 = arith.constant 5 : i32
    %dma_wait3A_268 = arith.constant 0 : i32
    %dma_wait3A_269 = arith.constant 0 : i32
    %dma_wait3A_270 = tpu.memref_slice %arg6[%dma_wait3A_267, %dma_wait3A_268, %dma_wait3A_269] : memref<6x128x128xf32, #tpu.memory_space<vmem>> -> memref<1x128x128xf32, #tpu.memory_space<vmem>>
    %dma_wait3A_271 = tpu.memref_squeeze %dma_wait3A_270 : memref<1x128x128xf32, #tpu.memory_space<vmem>> -> memref<128x128xf32, #tpu.memory_space<vmem>>
    %dma_wait3A_272 = arith.constant 0 : i32
    %dma_wait3A_273 = tpu.memref_slice %arg5[%dma_wait3A_266, %dma_wait3A_272] : memref<50x128xi32, #tpu.memory_space<vmem>> -> memref<1x128xi32, #tpu.memory_space<vmem>>
    %dma_wait3A_274 = tpu.memref_squeeze %dma_wait3A_273 : memref<1x128xi32, #tpu.memory_space<vmem>> -> memref<128xi32, #tpu.memory_space<vmem>>
    %dma_wait3A_275 = arith.constant 0 : i32
    %dma_wait3A_276 = arith.constant 0 : i32
    %dma_wait3A_277 = tpu.memref_slice %arg2[%dma_wait3A_275, %dma_wait3A_276] : memref<100000x128xf32, #tpu.memory_space<hbm>> -> memref<100000x128xf32, #tpu.memory_space<hbm>>
    tpu.wait_indirect_dma semaphore(%arg12 : memref<!tpu.dma_semaphore, #tpu.memory_space<semaphore_mem>>) src(%dma_wait3A_277 : memref<100000x128xf32, #tpu.memory_space<hbm>>) dst(%dma_wait3A_271 : memref<128x128xf32, #tpu.memory_space<vmem>>)
    %add3A_278 = arith.constant 6016 : i32
    %add3A_279 = arith.addi %mul3A_2, %add3A_278 : i32
    %dma_start3A_280 = arith.constant 5 : i32
    %dma_start3A_281 = arith.constant 0 : i32
    %dma_start3A_282 = arith.constant 0 : i32
    %dma_start3A_283 = tpu.memref_slice %arg6[%dma_start3A_280, %dma_start3A_281, %dma_start3A_282] : memref<6x128x128xf32, #tpu.memory_space<vmem>> -> memref<1x128x128xf32, #tpu.memory_space<vmem>>
    %dma_start3A_284 = tpu.memref_squeeze %dma_start3A_283 : memref<1x128x128xf32, #tpu.memory_space<vmem>> -> memref<128x128xf32, #tpu.memory_space<vmem>>
    %dma_start3A_285 = arith.constant 0 : i32
    %dma_start3A_286 = tpu.memref_slice %arg4[%add3A_279, %dma_start3A_285] : memref<204800x128xf32, #tpu.memory_space<hbm>> -> memref<128x128xf32, #tpu.memory_space<hbm>>
    %dma_start3A_287 = arith.constant 0 : i32
    %dma_start3A_288 = tpu.memref_slice %arg4[%add3A_279, %dma_start3A_287] : memref<204800x128xf32, #tpu.memory_space<hbm>> -> memref<128x128xf32, #tpu.memory_space<hbm>>
    %dma_start3A_289 = arith.constant 0 : i32
    %dma_start3A_290 = arith.constant 0 : i32
    %dma_start3A_291 = tpu.memref_slice %arg6[%dma_start3A_280, %dma_start3A_289, %dma_start3A_290] : memref<6x128x128xf32, #tpu.memory_space<vmem>> -> memref<1x128x128xf32, #tpu.memory_space<vmem>>
    %dma_start3A_292 = tpu.memref_squeeze %dma_start3A_291 : memref<1x128x128xf32, #tpu.memory_space<vmem>> -> memref<128x128xf32, #tpu.memory_space<vmem>>
    tpu.enqueue_dma source(%dma_start3A_292 : memref<128x128xf32, #tpu.memory_space<vmem>>) target(%dma_start3A_288 : memref<128x128xf32, #tpu.memory_space<hbm>>) target_semaphore(%arg18 : memref<!tpu.dma_semaphore, #tpu.memory_space<semaphore_mem>>)
    %dma_wait3A_293 = arith.constant 48 : i32
    %dma_wait3A_294 = arith.constant 0 : i32
    %dma_wait3A_295 = arith.constant 0 : i32
    %dma_wait3A_296 = arith.constant 0 : i32
    %dma_wait3A_297 = tpu.memref_slice %arg6[%dma_wait3A_294, %dma_wait3A_295, %dma_wait3A_296] : memref<6x128x128xf32, #tpu.memory_space<vmem>> -> memref<1x128x128xf32, #tpu.memory_space<vmem>>
    %dma_wait3A_298 = tpu.memref_squeeze %dma_wait3A_297 : memref<1x128x128xf32, #tpu.memory_space<vmem>> -> memref<128x128xf32, #tpu.memory_space<vmem>>
    %dma_wait3A_299 = arith.constant 0 : i32
    %dma_wait3A_300 = tpu.memref_slice %arg5[%dma_wait3A_293, %dma_wait3A_299] : memref<50x128xi32, #tpu.memory_space<vmem>> -> memref<1x128xi32, #tpu.memory_space<vmem>>
    %dma_wait3A_301 = tpu.memref_squeeze %dma_wait3A_300 : memref<1x128xi32, #tpu.memory_space<vmem>> -> memref<128xi32, #tpu.memory_space<vmem>>
    %dma_wait3A_302 = arith.constant 0 : i32
    %dma_wait3A_303 = arith.constant 0 : i32
    %dma_wait3A_304 = tpu.memref_slice %arg2[%dma_wait3A_302, %dma_wait3A_303] : memref<100000x128xf32, #tpu.memory_space<hbm>> -> memref<100000x128xf32, #tpu.memory_space<hbm>>
    tpu.wait_indirect_dma semaphore(%arg7 : memref<!tpu.dma_semaphore, #tpu.memory_space<semaphore_mem>>) src(%dma_wait3A_304 : memref<100000x128xf32, #tpu.memory_space<hbm>>) dst(%dma_wait3A_298 : memref<128x128xf32, #tpu.memory_space<vmem>>)
    %add3A_305 = arith.constant 6144 : i32
    %add3A_306 = arith.addi %mul3A_2, %add3A_305 : i32
    %dma_start3A_307 = arith.constant 0 : i32
    %dma_start3A_308 = arith.constant 0 : i32
    %dma_start3A_309 = arith.constant 0 : i32
    %dma_start3A_310 = tpu.memref_slice %arg6[%dma_start3A_307, %dma_start3A_308, %dma_start3A_309] : memref<6x128x128xf32, #tpu.memory_space<vmem>> -> memref<1x128x128xf32, #tpu.memory_space<vmem>>
    %dma_start3A_311 = tpu.memref_squeeze %dma_start3A_310 : memref<1x128x128xf32, #tpu.memory_space<vmem>> -> memref<128x128xf32, #tpu.memory_space<vmem>>
    %dma_start3A_312 = arith.constant 0 : i32
    %dma_start3A_313 = tpu.memref_slice %arg4[%add3A_306, %dma_start3A_312] : memref<204800x128xf32, #tpu.memory_space<hbm>> -> memref<128x128xf32, #tpu.memory_space<hbm>>
    %dma_start3A_314 = arith.constant 0 : i32
    %dma_start3A_315 = tpu.memref_slice %arg4[%add3A_306, %dma_start3A_314] : memref<204800x128xf32, #tpu.memory_space<hbm>> -> memref<128x128xf32, #tpu.memory_space<hbm>>
    %dma_start3A_316 = arith.constant 0 : i32
    %dma_start3A_317 = arith.constant 0 : i32
    %dma_start3A_318 = tpu.memref_slice %arg6[%dma_start3A_307, %dma_start3A_316, %dma_start3A_317] : memref<6x128x128xf32, #tpu.memory_space<vmem>> -> memref<1x128x128xf32, #tpu.memory_space<vmem>>
    %dma_start3A_319 = tpu.memref_squeeze %dma_start3A_318 : memref<1x128x128xf32, #tpu.memory_space<vmem>> -> memref<128x128xf32, #tpu.memory_space<vmem>>
    tpu.enqueue_dma source(%dma_start3A_319 : memref<128x128xf32, #tpu.memory_space<vmem>>) target(%dma_start3A_315 : memref<128x128xf32, #tpu.memory_space<hbm>>) target_semaphore(%arg13 : memref<!tpu.dma_semaphore, #tpu.memory_space<semaphore_mem>>)
    %dma_wait3A_320 = arith.constant 49 : i32
    %dma_wait3A_321 = arith.constant 1 : i32
    %dma_wait3A_322 = arith.constant 0 : i32
    %dma_wait3A_323 = arith.constant 0 : i32
    %dma_wait3A_324 = tpu.memref_slice %arg6[%dma_wait3A_321, %dma_wait3A_322, %dma_wait3A_323] : memref<6x128x128xf32, #tpu.memory_space<vmem>> -> memref<1x128x128xf32, #tpu.memory_space<vmem>>
    %dma_wait3A_325 = tpu.memref_squeeze %dma_wait3A_324 : memref<1x128x128xf32, #tpu.memory_space<vmem>> -> memref<128x128xf32, #tpu.memory_space<vmem>>
    %dma_wait3A_326 = arith.constant 0 : i32
    %dma_wait3A_327 = tpu.memref_slice %arg5[%dma_wait3A_320, %dma_wait3A_326] : memref<50x128xi32, #tpu.memory_space<vmem>> -> memref<1x128xi32, #tpu.memory_space<vmem>>
    %dma_wait3A_328 = tpu.memref_squeeze %dma_wait3A_327 : memref<1x128xi32, #tpu.memory_space<vmem>> -> memref<128xi32, #tpu.memory_space<vmem>>
    %dma_wait3A_329 = arith.constant 0 : i32
    %dma_wait3A_330 = arith.constant 0 : i32
    %dma_wait3A_331 = tpu.memref_slice %arg2[%dma_wait3A_329, %dma_wait3A_330] : memref<100000x128xf32, #tpu.memory_space<hbm>> -> memref<100000x128xf32, #tpu.memory_space<hbm>>
    tpu.wait_indirect_dma semaphore(%arg8 : memref<!tpu.dma_semaphore, #tpu.memory_space<semaphore_mem>>) src(%dma_wait3A_331 : memref<100000x128xf32, #tpu.memory_space<hbm>>) dst(%dma_wait3A_325 : memref<128x128xf32, #tpu.memory_space<vmem>>)
    %add3A_332 = arith.constant 6272 : i32
    %add3A_333 = arith.addi %mul3A_2, %add3A_332 : i32
    %dma_start3A_334 = arith.constant 1 : i32
    %dma_start3A_335 = arith.constant 0 : i32
    %dma_start3A_336 = arith.constant 0 : i32
    %dma_start3A_337 = tpu.memref_slice %arg6[%dma_start3A_334, %dma_start3A_335, %dma_start3A_336] : memref<6x128x128xf32, #tpu.memory_space<vmem>> -> memref<1x128x128xf32, #tpu.memory_space<vmem>>
    %dma_start3A_338 = tpu.memref_squeeze %dma_start3A_337 : memref<1x128x128xf32, #tpu.memory_space<vmem>> -> memref<128x128xf32, #tpu.memory_space<vmem>>
    %dma_start3A_339 = arith.constant 0 : i32
    %dma_start3A_340 = tpu.memref_slice %arg4[%add3A_333, %dma_start3A_339] : memref<204800x128xf32, #tpu.memory_space<hbm>> -> memref<128x128xf32, #tpu.memory_space<hbm>>
    %dma_start3A_341 = arith.constant 0 : i32
    %dma_start3A_342 = tpu.memref_slice %arg4[%add3A_333, %dma_start3A_341] : memref<204800x128xf32, #tpu.memory_space<hbm>> -> memref<128x128xf32, #tpu.memory_space<hbm>>
    %dma_start3A_343 = arith.constant 0 : i32
    %dma_start3A_344 = arith.constant 0 : i32
    %dma_start3A_345 = tpu.memref_slice %arg6[%dma_start3A_334, %dma_start3A_343, %dma_start3A_344] : memref<6x128x128xf32, #tpu.memory_space<vmem>> -> memref<1x128x128xf32, #tpu.memory_space<vmem>>
    %dma_start3A_346 = tpu.memref_squeeze %dma_start3A_345 : memref<1x128x128xf32, #tpu.memory_space<vmem>> -> memref<128x128xf32, #tpu.memory_space<vmem>>
    tpu.enqueue_dma source(%dma_start3A_346 : memref<128x128xf32, #tpu.memory_space<vmem>>) target(%dma_start3A_342 : memref<128x128xf32, #tpu.memory_space<hbm>>) target_semaphore(%arg14 : memref<!tpu.dma_semaphore, #tpu.memory_space<semaphore_mem>>)
    %add3A_347 = arith.constant 5632 : i32
    %add3A_348 = arith.addi %mul3A_2, %add3A_347 : i32
    %dma_wait3A_349 = arith.constant 2 : i32
    %dma_wait3A_350 = arith.constant 0 : i32
    %dma_wait3A_351 = arith.constant 0 : i32
    %dma_wait3A_352 = tpu.memref_slice %arg6[%dma_wait3A_349, %dma_wait3A_350, %dma_wait3A_351] : memref<6x128x128xf32, #tpu.memory_space<vmem>> -> memref<1x128x128xf32, #tpu.memory_space<vmem>>
    %dma_wait3A_353 = tpu.memref_squeeze %dma_wait3A_352 : memref<1x128x128xf32, #tpu.memory_space<vmem>> -> memref<128x128xf32, #tpu.memory_space<vmem>>
    %dma_wait3A_354 = arith.constant 0 : i32
    %dma_wait3A_355 = tpu.memref_slice %arg4[%add3A_348, %dma_wait3A_354] : memref<204800x128xf32, #tpu.memory_space<hbm>> -> memref<128x128xf32, #tpu.memory_space<hbm>>
    %dma_wait3A_356 = arith.constant 0 : i32
    %dma_wait3A_357 = tpu.memref_slice %arg4[%add3A_348, %dma_wait3A_356] : memref<204800x128xf32, #tpu.memory_space<hbm>> -> memref<128x128xf32, #tpu.memory_space<hbm>>
    %dma_wait3A_358 = arith.constant 0 : i32
    %dma_wait3A_359 = arith.constant 0 : i32
    %dma_wait3A_360 = tpu.memref_slice %arg6[%dma_wait3A_349, %dma_wait3A_358, %dma_wait3A_359] : memref<6x128x128xf32, #tpu.memory_space<vmem>> -> memref<1x128x128xf32, #tpu.memory_space<vmem>>
    %dma_wait3A_361 = tpu.memref_squeeze %dma_wait3A_360 : memref<1x128x128xf32, #tpu.memory_space<vmem>> -> memref<128x128xf32, #tpu.memory_space<vmem>>
    tpu.wait_dma2 semaphore(%arg15 : memref<!tpu.dma_semaphore, #tpu.memory_space<semaphore_mem>>) src(%dma_wait3A_361 : memref<128x128xf32, #tpu.memory_space<vmem>>) dst(%dma_wait3A_357 : memref<128x128xf32, #tpu.memory_space<hbm>>)
    %add3A_362 = arith.constant 5760 : i32
    %add3A_363 = arith.addi %mul3A_2, %add3A_362 : i32
    %dma_wait3A_364 = arith.constant 3 : i32
    %dma_wait3A_365 = arith.constant 0 : i32
    %dma_wait3A_366 = arith.constant 0 : i32
    %dma_wait3A_367 = tpu.memref_slice %arg6[%dma_wait3A_364, %dma_wait3A_365, %dma_wait3A_366] : memref<6x128x128xf32, #tpu.memory_space<vmem>> -> memref<1x128x128xf32, #tpu.memory_space<vmem>>
    %dma_wait3A_368 = tpu.memref_squeeze %dma_wait3A_367 : memref<1x128x128xf32, #tpu.memory_space<vmem>> -> memref<128x128xf32, #tpu.memory_space<vmem>>
    %dma_wait3A_369 = arith.constant 0 : i32
    %dma_wait3A_370 = tpu.memref_slice %arg4[%add3A_363, %dma_wait3A_369] : memref<204800x128xf32, #tpu.memory_space<hbm>> -> memref<128x128xf32, #tpu.memory_space<hbm>>
    %dma_wait3A_371 = arith.constant 0 : i32
    %dma_wait3A_372 = tpu.memref_slice %arg4[%add3A_363, %dma_wait3A_371] : memref<204800x128xf32, #tpu.memory_space<hbm>> -> memref<128x128xf32, #tpu.memory_space<hbm>>
    %dma_wait3A_373 = arith.constant 0 : i32
    %dma_wait3A_374 = arith.constant 0 : i32
    %dma_wait3A_375 = tpu.memref_slice %arg6[%dma_wait3A_364, %dma_wait3A_373, %dma_wait3A_374] : memref<6x128x128xf32, #tpu.memory_space<vmem>> -> memref<1x128x128xf32, #tpu.memory_space<vmem>>
    %dma_wait3A_376 = tpu.memref_squeeze %dma_wait3A_375 : memref<1x128x128xf32, #tpu.memory_space<vmem>> -> memref<128x128xf32, #tpu.memory_space<vmem>>
    tpu.wait_dma2 semaphore(%arg16 : memref<!tpu.dma_semaphore, #tpu.memory_space<semaphore_mem>>) src(%dma_wait3A_376 : memref<128x128xf32, #tpu.memory_space<vmem>>) dst(%dma_wait3A_372 : memref<128x128xf32, #tpu.memory_space<hbm>>)
    %add3A_377 = arith.constant 5888 : i32
    %add3A_378 = arith.addi %mul3A_2, %add3A_377 : i32
    %dma_wait3A_379 = arith.constant 4 : i32
    %dma_wait3A_380 = arith.constant 0 : i32
    %dma_wait3A_381 = arith.constant 0 : i32
    %dma_wait3A_382 = tpu.memref_slice %arg6[%dma_wait3A_379, %dma_wait3A_380, %dma_wait3A_381] : memref<6x128x128xf32, #tpu.memory_space<vmem>> -> memref<1x128x128xf32, #tpu.memory_space<vmem>>
    %dma_wait3A_383 = tpu.memref_squeeze %dma_wait3A_382 : memref<1x128x128xf32, #tpu.memory_space<vmem>> -> memref<128x128xf32, #tpu.memory_space<vmem>>
    %dma_wait3A_384 = arith.constant 0 : i32
    %dma_wait3A_385 = tpu.memref_slice %arg4[%add3A_378, %dma_wait3A_384] : memref<204800x128xf32, #tpu.memory_space<hbm>> -> memref<128x128xf32, #tpu.memory_space<hbm>>
    %dma_wait3A_386 = arith.constant 0 : i32
    %dma_wait3A_387 = tpu.memref_slice %arg4[%add3A_378, %dma_wait3A_386] : memref<204800x128xf32, #tpu.memory_space<hbm>> -> memref<128x128xf32, #tpu.memory_space<hbm>>
    %dma_wait3A_388 = arith.constant 0 : i32
    %dma_wait3A_389 = arith.constant 0 : i32
    %dma_wait3A_390 = tpu.memref_slice %arg6[%dma_wait3A_379, %dma_wait3A_388, %dma_wait3A_389] : memref<6x128x128xf32, #tpu.memory_space<vmem>> -> memref<1x128x128xf32, #tpu.memory_space<vmem>>
    %dma_wait3A_391 = tpu.memref_squeeze %dma_wait3A_390 : memref<1x128x128xf32, #tpu.memory_space<vmem>> -> memref<128x128xf32, #tpu.memory_space<vmem>>
    tpu.wait_dma2 semaphore(%arg17 : memref<!tpu.dma_semaphore, #tpu.memory_space<semaphore_mem>>) src(%dma_wait3A_391 : memref<128x128xf32, #tpu.memory_space<vmem>>) dst(%dma_wait3A_387 : memref<128x128xf32, #tpu.memory_space<hbm>>)
    %add3A_392 = arith.constant 6016 : i32
    %add3A_393 = arith.addi %mul3A_2, %add3A_392 : i32
    %dma_wait3A_394 = arith.constant 5 : i32
    %dma_wait3A_395 = arith.constant 0 : i32
    %dma_wait3A_396 = arith.constant 0 : i32
    %dma_wait3A_397 = tpu.memref_slice %arg6[%dma_wait3A_394, %dma_wait3A_395, %dma_wait3A_396] : memref<6x128x128xf32, #tpu.memory_space<vmem>> -> memref<1x128x128xf32, #tpu.memory_space<vmem>>
    %dma_wait3A_398 = tpu.memref_squeeze %dma_wait3A_397 : memref<1x128x128xf32, #tpu.memory_space<vmem>> -> memref<128x128xf32, #tpu.memory_space<vmem>>
    %dma_wait3A_399 = arith.constant 0 : i32
    %dma_wait3A_400 = tpu.memref_slice %arg4[%add3A_393, %dma_wait3A_399] : memref<204800x128xf32, #tpu.memory_space<hbm>> -> memref<128x128xf32, #tpu.memory_space<hbm>>
    %dma_wait3A_401 = arith.constant 0 : i32
    %dma_wait3A_402 = tpu.memref_slice %arg4[%add3A_393, %dma_wait3A_401] : memref<204800x128xf32, #tpu.memory_space<hbm>> -> memref<128x128xf32, #tpu.memory_space<hbm>>
    %dma_wait3A_403 = arith.constant 0 : i32
    %dma_wait3A_404 = arith.constant 0 : i32
    %dma_wait3A_405 = tpu.memref_slice %arg6[%dma_wait3A_394, %dma_wait3A_403, %dma_wait3A_404] : memref<6x128x128xf32, #tpu.memory_space<vmem>> -> memref<1x128x128xf32, #tpu.memory_space<vmem>>
    %dma_wait3A_406 = tpu.memref_squeeze %dma_wait3A_405 : memref<1x128x128xf32, #tpu.memory_space<vmem>> -> memref<128x128xf32, #tpu.memory_space<vmem>>
    tpu.wait_dma2 semaphore(%arg18 : memref<!tpu.dma_semaphore, #tpu.memory_space<semaphore_mem>>) src(%dma_wait3A_406 : memref<128x128xf32, #tpu.memory_space<vmem>>) dst(%dma_wait3A_402 : memref<128x128xf32, #tpu.memory_space<hbm>>)
    %add3A_407 = arith.constant 6144 : i32
    %add3A_408 = arith.addi %mul3A_2, %add3A_407 : i32
    %dma_wait3A_409 = arith.constant 0 : i32
    %dma_wait3A_410 = arith.constant 0 : i32
    %dma_wait3A_411 = arith.constant 0 : i32
    %dma_wait3A_412 = tpu.memref_slice %arg6[%dma_wait3A_409, %dma_wait3A_410, %dma_wait3A_411] : memref<6x128x128xf32, #tpu.memory_space<vmem>> -> memref<1x128x128xf32, #tpu.memory_space<vmem>>
    %dma_wait3A_413 = tpu.memref_squeeze %dma_wait3A_412 : memref<1x128x128xf32, #tpu.memory_space<vmem>> -> memref<128x128xf32, #tpu.memory_space<vmem>>
    %dma_wait3A_414 = arith.constant 0 : i32
    %dma_wait3A_415 = tpu.memref_slice %arg4[%add3A_408, %dma_wait3A_414] : memref<204800x128xf32, #tpu.memory_space<hbm>> -> memref<128x128xf32, #tpu.memory_space<hbm>>
    %dma_wait3A_416 = arith.constant 0 : i32
    %dma_wait3A_417 = tpu.memref_slice %arg4[%add3A_408, %dma_wait3A_416] : memref<204800x128xf32, #tpu.memory_space<hbm>> -> memref<128x128xf32, #tpu.memory_space<hbm>>
    %dma_wait3A_418 = arith.constant 0 : i32
    %dma_wait3A_419 = arith.constant 0 : i32
    %dma_wait3A_420 = tpu.memref_slice %arg6[%dma_wait3A_409, %dma_wait3A_418, %dma_wait3A_419] : memref<6x128x128xf32, #tpu.memory_space<vmem>> -> memref<1x128x128xf32, #tpu.memory_space<vmem>>
    %dma_wait3A_421 = tpu.memref_squeeze %dma_wait3A_420 : memref<1x128x128xf32, #tpu.memory_space<vmem>> -> memref<128x128xf32, #tpu.memory_space<vmem>>
    tpu.wait_dma2 semaphore(%arg13 : memref<!tpu.dma_semaphore, #tpu.memory_space<semaphore_mem>>) src(%dma_wait3A_421 : memref<128x128xf32, #tpu.memory_space<vmem>>) dst(%dma_wait3A_417 : memref<128x128xf32, #tpu.memory_space<hbm>>)
    %add3A_422 = arith.constant 6272 : i32
    %add3A_423 = arith.addi %mul3A_2, %add3A_422 : i32
    %dma_wait3A_424 = arith.constant 1 : i32
    %dma_wait3A_425 = arith.constant 0 : i32
    %dma_wait3A_426 = arith.constant 0 : i32
    %dma_wait3A_427 = tpu.memref_slice %arg6[%dma_wait3A_424, %dma_wait3A_425, %dma_wait3A_426] : memref<6x128x128xf32, #tpu.memory_space<vmem>> -> memref<1x128x128xf32, #tpu.memory_space<vmem>>
    %dma_wait3A_428 = tpu.memref_squeeze %dma_wait3A_427 : memref<1x128x128xf32, #tpu.memory_space<vmem>> -> memref<128x128xf32, #tpu.memory_space<vmem>>
    %dma_wait3A_429 = arith.constant 0 : i32
    %dma_wait3A_430 = tpu.memref_slice %arg4[%add3A_423, %dma_wait3A_429] : memref<204800x128xf32, #tpu.memory_space<hbm>> -> memref<128x128xf32, #tpu.memory_space<hbm>>
    %dma_wait3A_431 = arith.constant 0 : i32
    %dma_wait3A_432 = tpu.memref_slice %arg4[%add3A_423, %dma_wait3A_431] : memref<204800x128xf32, #tpu.memory_space<hbm>> -> memref<128x128xf32, #tpu.memory_space<hbm>>
    %dma_wait3A_433 = arith.constant 0 : i32
    %dma_wait3A_434 = arith.constant 0 : i32
    %dma_wait3A_435 = tpu.memref_slice %arg6[%dma_wait3A_424, %dma_wait3A_433, %dma_wait3A_434] : memref<6x128x128xf32, #tpu.memory_space<vmem>> -> memref<1x128x128xf32, #tpu.memory_space<vmem>>
    %dma_wait3A_436 = tpu.memref_squeeze %dma_wait3A_435 : memref<1x128x128xf32, #tpu.memory_space<vmem>> -> memref<128x128xf32, #tpu.memory_space<vmem>>
    tpu.wait_dma2 semaphore(%arg14 : memref<!tpu.dma_semaphore, #tpu.memory_space<semaphore_mem>>) src(%dma_wait3A_436 : memref<128x128xf32, #tpu.memory_space<vmem>>) dst(%dma_wait3A_432 : memref<128x128xf32, #tpu.memory_space<hbm>>)
    return
  }
}

module attributes {stable_mosaic.version = 14 : i64} {
  func.func @body(%arg0: i32, %arg1: memref<32768x128xi8, #tpu.memory_space<vmem>>, %arg2: memref<32768xf32, #tpu.memory_space<vmem>>, %arg3: memref<32768x128xf32, #tpu.memory_space<vmem>>) attributes {dimension_semantics = [#tpu.dimension_semantics<arbitrary>], iteration_bounds = array<i64: 4>, scalar_prefetch = 0 : i64, scratch_operands = 0 : i64, tpu.core_type = #tpu.core_type<tc>, window_params = [{transform_indices = @transform_0, window_bounds = array<i64: 32768, 128>}, {transform_indices = @transform_1, window_bounds = array<i64: 32768>}, {transform_indices = @transform_2, window_bounds = array<i64: 32768, 128>}]} {
    %get3A = arith.constant 0 : index
    %get3A_0 = vector.load %arg2[%get3A] : memref<32768xf32, #tpu.memory_space<vmem>>, vector<32768xf32>
    %reshape3A = vector.shape_cast %get3A_0 : vector<32768xf32> to vector<32768x1xf32>
    %get3A_1 = arith.constant 0 : index
    %get3A_2 = arith.constant 0 : index
    %get3A_3 = vector.load %arg1[%get3A_1, %get3A_2] : memref<32768x128xi8, #tpu.memory_space<vmem>>, vector<32768x128xi8>
    %convert_element_type3A = arith.sitofp %get3A_3 : vector<32768x128xi8> to vector<32768x128xf32>
    %mul3A = vector.broadcast %reshape3A : vector<32768x1xf32> to vector<32768x128xf32>
    %mul3A_4 = arith.mulf %convert_element_type3A, %mul3A : vector<32768x128xf32>
    %swap3A = arith.constant 0 : index
    %swap3A_5 = arith.constant 0 : index
    %swap3A_6 = vector.load %arg3[%swap3A, %swap3A_5] : memref<32768x128xf32, #tpu.memory_space<vmem>>, vector<32768x128xf32>
    tpu.vector_store %arg3[%swap3A, %swap3A_5], %mul3A_4 {strides = array<i32>} : memref<32768x128xf32, #tpu.memory_space<vmem>>, vector<32768x128xf32>,
    return
  }
  func.func @transform_0(%arg0: i32) -> (i32, i32) {
    %c0_i32 = arith.constant 0 : i32
    %c0_i32_0 = arith.constant 0 : i32
    return %arg0, %c0_i32 : i32, i32
  }
  func.func @transform_1(%arg0: i32) -> i32 {
    %c0_i32 = arith.constant 0 : i32
    return %arg0 : i32
  }
  func.func @transform_2(%arg0: i32) -> (i32, i32) {
    %c0_i32 = arith.constant 0 : i32
    %c0_i32_0 = arith.constant 0 : i32
    return %arg0, %c0_i32 : i32, i32
  }
}

</mosaic_0001>

<sc_bundles>
// kernel: kernel.4.cloned.1.call-start
scs
__scs_entry_jumppad:
0x0: {  	(pc) =	sbr.rel $0x88, $3  }
0x1: {  	(tag) =	ssettag $0x0;
	lr =	simm.s32 $0x1  }
0x2: {  	[smem:$0x3F9E] =	sst lr;
	_ =	strace $0xD0000000  }
0x3: {  	_ = 	snop  }
0x4: {  	_ = 	snop  }
0x5: {  	_ = 	snop  }
0x6: {  	_ = 	snop  }
0x7: {  	_ = 	snop  }
__scs_overlays_trampoline_lowered:
0x8: {  	[smem:$0x3FAD] =	sst s0  }
0x9: {  	[smem:$0x3FAE] =	sst s1  }
0xa: {  	[smem:$0x3FAF] =	sst s2  }
0xb: {  	[smem:$0x3FB0] =	sst s3  }
0xc: {  	[smem:$0x3FB1] =	sst s4  }
0xd: {  	[smem:$0x3FB2] =	sst s5  }
0xe: {  	[smem:$0x3FB3] =	sst s6  }
0xf: {  	[smem:$0x3FB4] =	sst s7  }
0x10: {  	[smem:$0x3FB5] =	sst s8  }
0x11: {  	[smem:$0x3FB6] =	sst s9;
	s0 =	simm.s32 @!p0 $0x0  }
0x12: {  	s1 =	sld [smem:$0x3F9C];
	s0 =	simm.s32 @p0 $0x1  }
0x13: {  	[smem:$0x3FB7] =	sst s0;
	s0 =	simm.s32 @!p1 $0x0  }
0x14: {  	s2 =	sld [smem:$0x3F9B];
	s0 =	simm.s32 @p1 $0x1  }
0x15: {  	[smem:$0x3FB8] =	sst s0;
	s0 =	simm.s32 @!p2 $0x0  }
0x16: {  	s3 =	sld [smem:$0x3FDB];
	s0 =	simm.s32 @p2 $0x1  }
0x17: {  	s4 =	simm.s32 $0x1BF5;
	[smem:$0x3FBA] =	sst s0  }
0x18: {  	s0 =	sld [smem:$0x3F9D];
	_ =	swait.ge [sflag:s4], $0x0  }
0x19: {  	s7 =	sld [smem:$0x3F9E]  }
0x1a: {  	s8 =	sadd.s32 $0xFFFFE003, lr  }
0x1b: {  	s9 =	sadd.s32 $0xFFFFFEF7, lr;
	s5 =	simm.s32 $0xFFFFFFFF;
	p2 =	slt.u32 s8, $0xFFFFF086  }
0x1c: {  	p1 =	slt.u32 s9, $0xF7A;
	s5 =	simm.s32 @!p2 $0x0  }
0x1d: {  	s5 =	simm.s32 @p1 $0x1;
	p0 =	seq.s32 s7, s2  }
0x1e: {  	s7 =	smul.u32 @!p0 $0xF7A, s2;
	p2 =	seq.s32 @!p0 s5, $0x0  }
0x1f: {  	s9 =	smul.u32 $0xF7A, s1;
	s8 =	simm.s32 @!p0 $0x1BF5;
	p2 =	por !p2, p0  }
0x20: {  	[sflag:s8] =	ssyncset.s32 @!p0 $0xFFFFF086;
	s6 =	sadd.s32 @!p0 s3, s7;
	s7 =	simm.s32 @!p0 $0x108  }
0x21: {  	s3 =	sadd.s32 s3, s9;
	s6 =	sadd.s32 @!p0 $0x88, s6;
	s7 =	simm.s32 @p2 $0x1082  }
0x22: {  	[simem:s7], [sflag:s8] =	dma.local @!p0 [hbm:s6], $0xF7A  }
0x23: {  	s9 =	sor.u32 $0xD0000000, s2;
	s6 =	simm.s32 $0x108;
	_ =	swait.ge @!p0 [sflag:s8], $0x0  }
0x24: {  	s3 =	sadd.s32 $0x88, s3;
	s6 =	simm.s32 @!p1 $0x1082;
	[sflag:s4] =	ssyncset.s32 $0xFFFFF086  }
0x25: {  	[simem:s6], [sflag:s4] =	dma.local [hbm:s3], $0xF7A  }
0x26: {  	[smem:$0x3F9E] =	sst s1;
	(tag) =	ssettag s2;
	_ =	strace s9  }
0x27: {  	s1 =	sld [smem:$0x3FAE]  }
0x28: {  	s2 =	sld [smem:$0x3FAF]  }
0x29: {  	s4 =	sld [smem:$0x3FB1]  }
0x2a: {  	p0 =	seq.s32 s5, $0x0;
	s5 =	sld [smem:$0x3FB2]  }
0x2b: {  	s6 =	sld [smem:$0x3FB3]  }
0x2c: {  	s7 =	sld [smem:$0x3FB4]  }
0x2d: {  	s3 =	simm.s32 $0x108;
	s8 =	sld [smem:$0x3FB5]  }
0x2e: {  	s3 =	simm.s32 @!p0 $0x1082;
	s9 =	sld [smem:$0x3FB6]  }
0x2f: {  	lr =	sadd.s32 s0, s3;
	s0 =	sld [smem:$0x3FAD]  }
0x30: {  	s3 =	sld [smem:$0x3FB0]  }
0x31: {  	[smem:$0x3FB9] =	sst s10  }
0x32: {  	s10 =	sld [smem:$0x3FB7];
	_ =	sdelay $0x3  }
0x33: {  	p0 =	seq.s32 s10, $0x1;
	s10 =	sld [smem:$0x3FB9];
	_ =	sdelay $0x3  }
0x34: {  	[smem:$0x3FB9] =	sst s10  }
0x35: {  	s10 =	sld [smem:$0x3FB8];
	_ =	sdelay $0x3  }
0x36: {  	p1 =	seq.s32 s10, $0x1;
	s10 =	sld [smem:$0x3FB9];
	_ =	sdelay $0x3  }
0x37: {  	[smem:$0x3FB9] =	sst s10  }
0x38: {  	s10 =	sld [smem:$0x3FBA]  }
0x39: {  	_ = 	snop;
	(pc) =	sbr.ind lr, $3  }
0x3a: {  	_ = 	snop  }
0x3b: {  	_ = 	snop  }
0x3c: {  	p2 =	seq.s32 s10, $0x1;
	s10 =	sld [smem:$0x3FB9]  }
0x3d: {  	_ =	shalt  }
0x3e: {  	_ =	shalt  }
0x3f: {  	_ =	shalt  }
0x40: {  	_ =	shalt  }
0x41: {  	_ =	shalt  }
0x42: {  	_ =	shalt  }
0x43: {  	_ =	shalt  }
0x44: {  	_ =	shalt  }
0x45: {  	_ =	shalt  }
0x46: {  	_ =	shalt  }
0x47: {  	_ =	shalt  }
0x48: {  	_ =	shalt  }
0x49: {  	_ =	shalt  }
0x4a: {  	_ =	shalt  }
0x4b: {  	_ =	shalt  }
0x4c: {  	_ =	shalt  }
0x4d: {  	_ =	shalt  }
0x4e: {  	_ =	shalt  }
0x4f: {  	_ =	shalt  }
0x50: {  	_ =	shalt  }
0x51: {  	_ =	shalt  }
0x52: {  	_ =	shalt  }
0x53: {  	_ =	shalt  }
0x54: {  	_ =	shalt  }
0x55: {  	_ =	shalt  }
0x56: {  	_ =	shalt  }
0x57: {  	_ =	shalt  }
0x58: {  	_ =	shalt  }
0x59: {  	_ =	shalt  }
0x5a: {  	_ =	shalt  }
0x5b: {  	_ =	shalt  }
0x5c: {  	_ =	shalt  }
0x5d: {  	_ =	shalt  }
0x5e: {  	_ =	shalt  }
0x5f: {  	_ =	shalt  }
0x60: {  	_ =	shalt  }
0x61: {  	_ =	shalt  }
0x62: {  	_ =	shalt  }
0x63: {  	_ =	shalt  }
0x64: {  	_ =	shalt  }
0x65: {  	_ =	shalt  }
0x66: {  	_ =	shalt  }
0x67: {  	_ =	shalt  }
0x68: {  	_ =	shalt  }
0x69: {  	_ =	shalt  }
0x6a: {  	_ =	shalt  }
0x6b: {  	_ =	shalt  }
0x6c: {  	_ =	shalt  }
0x6d: {  	_ =	shalt  }
0x6e: {  	_ =	shalt  }
0x6f: {  	_ =	shalt  }
0x70: {  	_ =	shalt  }
0x71: {  	_ =	shalt  }
0x72: {  	_ =	shalt  }
0x73: {  	_ =	shalt  }
0x74: {  	_ =	shalt  }
0x75: {  	_ =	shalt  }
0x76: {  	_ =	shalt  }
0x77: {  	_ =	shalt  }
0x78: {  	_ =	shalt  }
0x79: {  	_ =	shalt  }
0x7a: {  	_ =	shalt  }
0x7b: {  	_ =	shalt  }
0x7c: {  	_ =	shalt  }
0x7d: {  	_ =	shalt  }
0x7e: {  	_ =	shalt  }
0x7f: {  	_ =	shalt  }
0x80: {  	_ =	shalt  }
0x81: {  	_ =	shalt  }
0x82: {  	_ =	shalt  }
0x83: {  	_ =	shalt  }
0x84: {  	_ =	shalt  }
0x85: {  	_ =	shalt  }
0x86: {  	_ =	shalt  }
0x87: {  	_ =	shalt  }
.Lfunc_end0:
.L_simem_size_0:
called_computation_lowered:
.L_overlay_start_0:
0x88: {  	s2 =	sld [smem:$0x3FD9]  }
0x89: {  	s3 =	sld [smem:$0x3FFE];
	_ =	sdelay $0x1  }
0x8a: {  	s1 =	srdreg.scid  }
0x8b: {  	s0 =	sand.u32 $0x1, s1  }
0x8c: {  	s17 =	sshll.u32 s0, $0xA;
	s2 =	sadd.s32 s3, s2  }
0x8d: {  	s2 =	sadd.s32 s2, s17  }
0x8e: {  	[smem:$0x3FC5] =	sst s2  }
0x8f: {  	_ = 	snop  }
0x90: {  	s2 =	sld [smem:$0x3FD0];
	(tm) =	ssettm $0x1  }
0x91: {  	s18 =	sld [smem:$0x3FFB];
	_ =	sdelay $0x3  }
0x92: {  	_ =	strace s18  }
0x93: {  	s3 =	sld [smem:$0x3FFC];
	_ =	sdelay $0x3  }
0x94: {  	_ =	strace s3  }
0x95: {  	s3 =	sld [smem:$0x3FFD];
	_ =	sdelay $0x3  }
0x96: {  	_ =	strace s3  }
0x97: {  	_ =	strace $0x8FFFFFFF  }
0x98: {  	s19 =	sld [smem:$0x3FDB];
	_ =	sdelay $0x1  }
0x99: {  	s4 =	simm.s32 $_scs_section_size  }
0x9a: {  	s5 =	simm.s32 $_size__tile_overlayer_lowered;
	s6 =	simm.s32 $_tile_overlayer_lowered  }
0x9b: {  	s22 =	simm.s32 $0x1BFF;
	s21 =	sshll.u32 s6, $0x1;
	s3 =	sadd.s32 s4, s19  }
0x9c: {  	s7 =	simm.s32 $0x0;
	s20 =	sshll.u32 s5, $0x1;
	s5 =	sadd.s32 s21, s3  }
0x9d: {  	[timem:s7], [sflag:s22] =	dma.local [hbm:s5], s20  }
0x9e: {  	_ =	swait.ge [sflag:s22], s20  }
0x9f: {  	s4 =	ssub.s32 $0x0, s20;
	[sflag:s22] =	ssyncset.done $0x0  }
0xa0: {  	[sflag:s22] =	ssyncadd.s32 s4;
	_ =	sdelay $0x1  }
0xa1: {  	s23 =	simm.s32 $0x1B8B  }
0xa2: {  	_ =	swait.ge [sflag:s23], $0x1  }
0xa3: {  	[sflag:s23] =	ssyncset.done $0x0  }
0xa4: {  	s25 =	simm.s32 $0x1B8E;
	s24 =	sld [smem:$0x3FFE];
	[sflag:s23] =	ssyncadd.s32 $0xFFFFFFFF  }
0xa5: {  	s26 =	simm.s32 $execute0_lowered;
	[smem:$0x3FD2] =	sst s25  }
0xa6: {  	s5 =	sshll.u32 s26, $0x1;
	_ =	strace $0x80000046;
	[dreg:$0x1] =	wrdreg $0xFFFFFFFF  }
0xa7: {  	s28 =	simm.s32 $_size_execute0_lowered;
	s3 =	sadd.s32 s3, s5;
	[dreg:$0x0] =	wrdreg $0x0  }
0xa8: {  	s5 =	sshll.u32 s28, $0x1;
	[dreg:$0x2] =	wrdreg s3  }
0xa9: {  	[dreg:$0x3] =	wrdreg s5  }
0xaa: {  	[dreg:$0x4] =	wrdreg $0xC0  }
0xab: {  	_ =	task [dreg:s7], $0x5FFFF  }
0xac: {  	[dreg:$0x1] =	wrdreg $0xFFFFFFFF  }
0xad: {  	[dreg:$0x0] =	wrdreg $0x60  }
0xae: {  	[dreg:$0x2] =	wrdreg s24  }
0xaf: {  	[dreg:$0x3] =	wrdreg s2  }
0xb0: {  	[dreg:$0x4] =	wrdreg $0x9  }
0xb1: {  	_ =	task.clear_ibuf [dreg:s7], $0x5FFFF;
	_ =	strace $0x90000046  }
0xb2: {  	s29 =	simm.s32 $0x9;
	_ =	strace $0x80000048  }
0xb3: {  	_ =	swait.ge [sflag:s29], $0x1  }
0xb4: {  	[sflag:s29] =	ssyncadd.s32 $0xFFFFFFFF  }
0xb5: {  	_ =	strace $0x90000048  }
0xb6: {  	_ =	sfence  }
0xb7: {  	s30 =	sld [smem:$0x0];
	_ =	sdelay $0x2  }
0xb8: {  	s31 =	sshll.u32 s1, $0xD;
	s1 =	sshrl.u32 s1, $0x2  }
0xb9: {  	s3 =	sand.u32 $0x4000, s31;
	s1 =	sadd.s32 s1, s30  }
0xba: {  	s0 =	sor.u32 s3, s0;
	s1 =	sshll.u32 s1, $0x11  }
0xbb: {  	s0 =	sor.u32 s1, s0  }
0xbc: {  	s0 =	sadd.s32 $0x8F2B, s0  }
0xbd: {  	[sflag:s0] =	ssyncadd.remote.s32 $0x1  }
0xbe: {  	_ =	sfence.sel $0xFFFF  }
0xbf: {  	[dreg:$0x0] =	wrdreg $0xFFFFFFFF;
	(pc) =	sbr.abs _section_cstart, $3  }
0xc0: {  	[dreg:$0x1] =	wrdreg $0xFFFFFFFF  }
0xc1: {  	_ =	task.clear_ibuf [dreg:s7], $0x2FFFF;
	_ =	strace $0x9FFFFFFF  }
0xc2: {  	(tm) =	ssettm $0x7FFFFFFF  }
0xc3: {  	_ =	shalt  }
tec
execute0_lowered:
.L_overlay_start_1:
0x0: {  	(tag) =	ssettag $0x1  }
0x1: {  	s0 =	rddreg [dreg:$0x0]  }
0x2: {  	s1 =	srdreg.scid;
	s9 =	stileid.u32  }
0x3: {  	s4 =	rddreg [dreg:$0x1];
	s1 =	sand.u32 $0x1, s1;
	s3 =	sshll.u32 s9, $0x1  }
0x4: {  	s2 =	simm.s32 $0x0;
	s10 =	smul.u32 $0x3200, s9;
	s5 =	sor.u32 s1, s3  }
0x5: {  	s28 =	simm.s32 $0xD900;
	s29 =	simm.s32 $0x1;
	s6 =	smul.u32 $0x1900, s5  }
0x6: {  	s31 =	simm.s32 $0x11900;
	s30 =	simm.s32 $0x3;
	s8 =	smul.u32 $0xC8000, s5  }
0x7: {  	[smem:$0x7FF] =	sst s2;
	s9 =	simm.s32 $0x6;
	s5 =	smul.u32 $0x19000, s5  }
0x8: {  	_ =	strace $0x80000047;
	s3 =	sadd.s32 $0x6C00, s0;
	s7 =	ssub.s32 $0x2, s1  }
0x9: {  	s6 =	sshrl.u32 s6, $0x3;
	s8 =	sshrl.u32 s8, $0x3;
	s11 =	sadd.s32 s4, s5  }
0xa: {  	s0 =	sadd.s32 s6, s0;
	[dreg:$0x3] =	wrdreg s11;
	s13 =	sadd.s32 $0x800, s11  }
0xb: {  	s12 =	sadd.s32 s4, s8;
	s0 =	sadd.s32 $0x800, s0;
	[dreg:$0x5] =	wrdreg s13  }
0xc: {  	s1 =	smul.u32 $0x1900, s1;
	s14 =	sadd.s32 $0x16000, s12;
	[dreg:$0x4] =	wrdreg s0  }
0xd: {  	s26 =	sshrl.u32 s7, $0x1;
	s15 =	sadd.s32 $0x16800, s12;
	[dreg:$0x6] =	wrdreg s14  }
0xe: {  	s17 =	sadd.s32 s1, s10;
	s16 =	sadd.s32 $0x17000, s12;
	[dreg:$0x7] =	wrdreg s15  }
0xf: {  	s1 =	simm.s32 $0x2;
	s18 =	sadd.s32 $0x17800, s12;
	[dreg:$0x8] =	wrdreg s16  }
0x10: {  	s6 =	ssub.s32 s7, s26;
	s19 =	sadd.s32 $0x18000, s12;
	[dreg:$0x9] =	wrdreg s18  }
0x11: {  	s20 =	sadd.s32 $0x18800, s12;
	[dreg:$0xa] =	wrdreg s19;
	s0 =	sshll.u32 s17, $0x4  }
0x12: {  	s21 =	smax.u32 s6, $0x1;
	[dreg:$0xb] =	wrdreg s20;
	s0 =	sadd.s32 s4, s0  }
0x13: {  	s10 =	simm.s32 $0xB;
	[dreg:$0xc] =	wrdreg s21;
	s22 =	sadd.s32 $0x2800, s0  }
0x14: {  	s5 =	simm.s32 $0x4;
	s23 =	sadd.s32 $0x2000, s0;
	[dreg:$0xd] =	wrdreg s22  }
0x15: {  	s7 =	simm.s32 $0x5;
	s24 =	sadd.s32 $0x1800, s0;
	[dreg:$0xe] =	wrdreg s23  }
0x16: {  	s8 =	simm.s32 $0xA;
	s25 =	sadd.s32 $0x1000, s0;
	[dreg:$0xf] =	wrdreg s24  }
0x17: {  	s6 =	simm.s32 $0x9;
	s26 =	sadd.s32 $0x3800, s0;
	[dreg:$0x10] =	wrdreg s25  }
0x18: {  	s12 =	simm.s32 $0x0;
	s0 =	sadd.s32 $0x3000, s0;
	[dreg:$0x11] =	wrdreg s26  }
0x19: {  	s21 =	simm.s32 $0x80;
	s4 =	simm.s32 $0xC;
	[dreg:$0x12] =	wrdreg s0  }
0x1a: {  	s22 =	simm.s32 $0x1900;
	s23 =	simm.s32 $0x5900;
	s25 =	simm.s32 $0x9900  }
0x1b: {  	s24 =	simm.s32 $0x15900;
	s26 =	simm.s32 $0x7;
	s0 =	simm.s32 $0x8  }
.LBB2_1:
0x1c: {  	[dreg:$0x13] =	wrdreg s12  }
0x1d: {  	s11 =	rddreg [dreg:$0x4];
	s17 =	simm.s32 $0xD  }
0x1e: {  	[tilespmem:s2], [sflag:$0xD] =	stream.linear.gather [hbm4b:s11+s2], $0x1900, $0x38;
	[tilespmem:$0x19900] =	vst v63  }
0x1f: {  	_ =	swait.ge [sflag:s17], $0x1900  }
0x20: {  	[sflag:s17] =	ssyncset.done $0x0  }
0x21: {  	[sflag:s17] =	ssyncadd.s32 $0xFFFFE700  }
0x22: {  	[tilespmem:s22], [sflag:$0x1] =	stream.indirect.gather [hbm4b:s3+s21], $0x80, s2, s21, $0xb8;
	[tilespmem:$0x19900] =	vst v63  }
0x23: {  	_ = 	snop  }
0x24: {  	[tilespmem:s23], [sflag:$0x2] =	stream.indirect.gather [hbm4b:s3+s21], $0x80, s21, s21, $0xb8;
	[tilespmem:$0x19900] =	vst v63  }
0x25: {  	s18 =	simm.s32 $0x100  }
0x26: {  	[tilespmem:s25], [sflag:$0x3] =	stream.indirect.gather [hbm4b:s3+s21], $0x80, s18, s21, $0xb8;
	[tilespmem:$0x19900] =	vst v63  }
0x27: {  	s19 =	simm.s32 $0x180  }
0x28: {  	[tilespmem:s28], [sflag:$0x4] =	stream.indirect.gather [hbm4b:s3+s21], $0x80, s19, s21, $0xb8;
	[tilespmem:$0x19900] =	vst v63  }
0x29: {  	_ =	swait.ge [sflag:s29], $0x4000  }
0x2a: {  	[sflag:s29] =	ssyncset.done $0x0  }
0x2b: {  	s20 =	rddreg [dreg:$0x3];
	[sflag:s29] =	ssyncadd.s32 $0xFFFFC000  }
0x2c: {  	[hbm4b:s20+s2] =	stream.linear.scatter [tilespmem:s22], [sflag:$0x7], $0x4000, $0x38;
	[tilespmem:$0x19900] =	vst v63  }
0x2d: {  	s12 =	simm.s32 $0x200  }
0x2e: {  	[tilespmem:s31], [sflag:$0x5] =	stream.indirect.gather [hbm4b:s3+s21], $0x80, s12, s21, $0xb8;
	[tilespmem:$0x19900] =	vst v63  }
0x2f: {  	_ =	swait.ge [sflag:s1], $0x4000  }
0x30: {  	[sflag:s1] =	ssyncset.done $0x0  }
0x31: {  	s13 =	rddreg [dreg:$0x5];
	[sflag:s1] =	ssyncadd.s32 $0xFFFFC000  }
0x32: {  	[hbm4b:s13+s2] =	stream.linear.scatter [tilespmem:s23], [sflag:$0x8], $0x4000, $0x38;
	[tilespmem:$0x19900] =	vst v63  }
0x33: {  	s14 =	simm.s32 $0x280  }
0x34: {  	[tilespmem:s24], [sflag:$0x6] =	stream.indirect.gather [hbm4b:s3+s21], $0x80, s14, s21, $0xb8;
	[tilespmem:$0x19900] =	vst v63  }
0x35: {  	_ =	swait.ge [sflag:s26], $0x4000  }
0x36: {  	[sflag:s26] =	ssyncset.done $0x0  }
0x37: {  	s15 =	simm.s32 $0x300;
	[sflag:s26] =	ssyncadd.s32 $0xFFFFC000  }
0x38: {  	[tilespmem:s22], [sflag:$0x1] =	stream.indirect.gather [hbm4b:s3+s21], $0x80, s15, s21, $0xb8;
	[tilespmem:$0x19900] =	vst v63  }
0x39: {  	_ =	swait.ge [sflag:s30], $0x4000  }
0x3a: {  	[sflag:s30] =	ssyncset.done $0x0  }
0x3b: {  	s15 =	rddreg [dreg:$0x10];
	[sflag:s30] =	ssyncadd.s32 $0xFFFFC000  }
0x3c: {  	[hbm4b:s15+s2] =	stream.linear.scatter [tilespmem:s25], [sflag:$0x9], $0x4000, $0x38;
	[tilespmem:$0x19900] =	vst v63  }
0x3d: {  	_ =	swait.ge [sflag:s0], $0x4000  }
0x3e: {  	[sflag:s0] =	ssyncset.done $0x0  }
0x3f: {  	s16 =	simm.s32 $0x380;
	[sflag:s0] =	ssyncadd.s32 $0xFFFFC000  }
0x40: {  	[tilespmem:s23], [sflag:$0x2] =	stream.indirect.gather [hbm4b:s3+s21], $0x80, s16, s21, $0xb8;
	[tilespmem:$0x19900] =	vst v63  }
0x41: {  	_ =	swait.ge [sflag:s5], $0x4000  }
0x42: {  	[sflag:s5] =	ssyncset.done $0x0  }
0x43: {  	s14 =	rddreg [dreg:$0xf];
	[sflag:s5] =	ssyncadd.s32 $0xFFFFC000  }
0x44: {  	[hbm4b:s14+s2] =	stream.linear.scatter [tilespmem:s28], [sflag:$0xA], $0x4000, $0x38;
	[tilespmem:$0x19900] =	vst v63  }
0x45: {  	_ =	swait.ge [sflag:s6], $0x4000  }
0x46: {  	[sflag:s6] =	ssyncset.done $0x0  }
0x47: {  	s17 =	simm.s32 $0x400;
	[sflag:s6] =	ssyncadd.s32 $0xFFFFC000  }
0x48: {  	[tilespmem:s25], [sflag:$0x3] =	stream.indirect.gather [hbm4b:s3+s21], $0x80, s17, s21, $0xb8;
	[tilespmem:$0x19900] =	vst v63  }
0x49: {  	_ =	swait.ge [sflag:s7], $0x4000  }
0x4a: {  	[sflag:s7] =	ssyncset.done $0x0  }
0x4b: {  	s17 =	rddreg [dreg:$0xe];
	[sflag:s7] =	ssyncadd.s32 $0xFFFFC000  }
0x4c: {  	[hbm4b:s17+s2] =	stream.linear.scatter [tilespmem:s31], [sflag:$0xB], $0x4000, $0x38;
	[tilespmem:$0x19900] =	vst v63  }
0x4d: {  	_ =	swait.ge [sflag:s8], $0x4000  }
0x4e: {  	[sflag:s8] =	ssyncset.done $0x0  }
0x4f: {  	s18 =	simm.s32 $0x480;
	[sflag:s8] =	ssyncadd.s32 $0xFFFFC000  }
0x50: {  	[tilespmem:s28], [sflag:$0x4] =	stream.indirect.gather [hbm4b:s3+s21], $0x80, s18, s21, $0xb8;
	[tilespmem:$0x19900] =	vst v63  }
0x51: {  	_ =	swait.ge [sflag:s9], $0x4000  }
0x52: {  	[sflag:s9] =	ssyncset.done $0x0  }
0x53: {  	s19 =	rddreg [dreg:$0xd];
	[sflag:s9] =	ssyncadd.s32 $0xFFFFC000  }
0x54: {  	[hbm4b:s19+s2] =	stream.linear.scatter [tilespmem:s24], [sflag:$0xC], $0x4000, $0x38;
	[tilespmem:$0x19900] =	vst v63  }
0x55: {  	_ =	swait.ge [sflag:s10], $0x4000  }
0x56: {  	[sflag:s10] =	ssyncset.done $0x0  }
0x57: {  	s20 =	simm.s32 $0x500;
	[sflag:s10] =	ssyncadd.s32 $0xFFFFC000  }
0x58: {  	[tilespmem:s31], [sflag:$0x5] =	stream.indirect.gather [hbm4b:s3+s21], $0x80, s20, s21, $0xb8;
	[tilespmem:$0x19900] =	vst v63  }
0x59: {  	_ =	swait.ge [sflag:s29], $0x4000  }
0x5a: {  	[sflag:s29] =	ssyncset.done $0x0  }
0x5b: {  	s16 =	rddreg [dreg:$0x12];
	[sflag:s29] =	ssyncadd.s32 $0xFFFFC000  }
0x5c: {  	[hbm4b:s16+s2] =	stream.linear.scatter [tilespmem:s22], [sflag:$0x7], $0x4000, $0x38;
	[tilespmem:$0x19900] =	vst v63  }
0x5d: {  	_ =	swait.ge [sflag:s4], $0x4000  }
0x5e: {  	s12 =	simm.s32 $0xC00;
	[sflag:s4] =	ssyncset.done $0x0  }
0x5f: {  	s13 =	simm.s32 $0x580;
	s15 =	sadd.s32 $0x3000, s15;
	[sflag:s4] =	ssyncadd.s32 $0xFFFFC000  }
0x60: {  	[tilespmem:s24], [sflag:$0x6] =	stream.indirect.gather [hbm4b:s3+s21], $0x80, s13, s21, $0xb8;
	[tilespmem:$0x19900] =	vst v63  }
0x61: {  	s14 =	sadd.s32 $0x3000, s14;
	s17 =	sadd.s32 $0x3000, s17;
	_ =	swait.ge [sflag:s1], $0x4000  }
0x62: {  	s20 =	sadd.s32 $0x3000, s16;
	s18 =	rddreg [dreg:$0x11];
	[sflag:s1] =	ssyncset.done $0x0  }
0x63: {  	s16 =	sadd.s32 $0x3000, s19;
	s13 =	sadd.s32 $0x3000, s18;
	[sflag:s1] =	ssyncadd.s32 $0xFFFFC000  }
.LBB2_2:
0x64: {  	[hbm4b:s18+s2] =	stream.linear.scatter [tilespmem:s23], [sflag:$0x8], $0x4000, $0x38;
	[tilespmem:$0x19900] =	vst v63  }
0x65: {  	s19 =	smov.u32 s12;
	s18 =	smov.u32 s13  }
0x66: {  	p0 =	sne.s32 s12, $0x4800;
	s12 =	sadd.s32 $0xC00, s12;
	_ =	swait.ge [sflag:s26], $0x4000  }
0x67: {  	s19 =	sshra.s32 s19, $0x2;
	[sflag:s26] =	ssyncset.done $0x0  }
0x68: {  	s11 =	sadd.s32 $0x300, s19;
	[sflag:s26] =	ssyncadd.s32 $0xFFFFC000  }
0x69: {  	[tilespmem:s22], [sflag:$0x1] =	stream.indirect.gather [hbm4b:s3+s21], $0x80, s11, s21, $0xb8;
	[tilespmem:$0x19900] =	vst v63  }
0x6a: {  	_ =	swait.ge [sflag:s30], $0x4000  }
0x6b: {  	[sflag:s30] =	ssyncset.done $0x0  }
0x6c: {  	[sflag:s30] =	ssyncadd.s32 $0xFFFFC000  }
0x6d: {  	[hbm4b:s15+s2] =	stream.linear.scatter [tilespmem:s25], [sflag:$0x9], $0x4000, $0x38;
	[tilespmem:$0x19900] =	vst v63  }
0x6e: {  	_ =	swait.ge [sflag:s0], $0x4000  }
0x6f: {  	[sflag:s0] =	ssyncset.done $0x0  }
0x70: {  	s11 =	sadd.s32 $0x380, s19;
	[sflag:s0] =	ssyncadd.s32 $0xFFFFC000  }
0x71: {  	[tilespmem:s23], [sflag:$0x2] =	stream.indirect.gather [hbm4b:s3+s21], $0x80, s11, s21, $0xb8;
	[tilespmem:$0x19900] =	vst v63  }
0x72: {  	_ =	swait.ge [sflag:s5], $0x4000  }
0x73: {  	[sflag:s5] =	ssyncset.done $0x0  }
0x74: {  	[sflag:s5] =	ssyncadd.s32 $0xFFFFC000  }
0x75: {  	[hbm4b:s14+s2] =	stream.linear.scatter [tilespmem:s28], [sflag:$0xA], $0x4000, $0x38;
	[tilespmem:$0x19900] =	vst v63  }
0x76: {  	_ =	swait.ge [sflag:s6], $0x4000  }
0x77: {  	[sflag:s6] =	ssyncset.done $0x0  }
0x78: {  	s11 =	sadd.s32 $0x400, s19;
	[sflag:s6] =	ssyncadd.s32 $0xFFFFC000  }
0x79: {  	[tilespmem:s25], [sflag:$0x3] =	stream.indirect.gather [hbm4b:s3+s21], $0x80, s11, s21, $0xb8;
	[tilespmem:$0x19900] =	vst v63  }
0x7a: {  	_ =	swait.ge [sflag:s7], $0x4000  }
0x7b: {  	[sflag:s7] =	ssyncset.done $0x0  }
0x7c: {  	[sflag:s7] =	ssyncadd.s32 $0xFFFFC000  }
0x7d: {  	[hbm4b:s17+s2] =	stream.linear.scatter [tilespmem:s31], [sflag:$0xB], $0x4000, $0x38;
	[tilespmem:$0x19900] =	vst v63  }
0x7e: {  	_ =	swait.ge [sflag:s8], $0x4000  }
0x7f: {  	[sflag:s8] =	ssyncset.done $0x0  }
0x80: {  	s11 =	sadd.s32 $0x480, s19;
	[sflag:s8] =	ssyncadd.s32 $0xFFFFC000  }
0x81: {  	[tilespmem:s28], [sflag:$0x4] =	stream.indirect.gather [hbm4b:s3+s21], $0x80, s11, s21, $0xb8;
	[tilespmem:$0x19900] =	vst v63  }
0x82: {  	_ =	swait.ge [sflag:s9], $0x4000  }
0x83: {  	[sflag:s9] =	ssyncset.done $0x0  }
0x84: {  	[sflag:s9] =	ssyncadd.s32 $0xFFFFC000  }
0x85: {  	[hbm4b:s16+s2] =	stream.linear.scatter [tilespmem:s24], [sflag:$0xC], $0x4000, $0x38;
	[tilespmem:$0x19900] =	vst v63  }
0x86: {  	_ =	swait.ge [sflag:s10], $0x4000  }
0x87: {  	[sflag:s10] =	ssyncset.done $0x0  }
0x88: {  	s11 =	sadd.s32 $0x500, s19;
	[sflag:s10] =	ssyncadd.s32 $0xFFFFC000  }
0x89: {  	[tilespmem:s31], [sflag:$0x5] =	stream.indirect.gather [hbm4b:s3+s21], $0x80, s11, s21, $0xb8;
	[tilespmem:$0x19900] =	vst v63  }
0x8a: {  	_ =	swait.ge [sflag:s29], $0x4000  }
0x8b: {  	[sflag:s29] =	ssyncset.done $0x0  }
0x8c: {  	[sflag:s29] =	ssyncadd.s32 $0xFFFFC000  }
0x8d: {  	[hbm4b:s20+s2] =	stream.linear.scatter [tilespmem:s22], [sflag:$0x7], $0x4000, $0x38;
	[tilespmem:$0x19900] =	vst v63  }
0x8e: {  	_ =	swait.ge [sflag:s4], $0x4000  }
0x8f: {  	[sflag:s4] =	ssyncset.done $0x0  }
.Ltmp0:
0x90: {  	s11 =	sadd.s32 $0x580, s19;
	[sflag:s4] =	ssyncadd.s32 $0xFFFFC000;
	(pc) =	sbr.rel @p0 .LBB2_2-.Ltmp0, $4  }
0x91: {  	[tilespmem:s24], [sflag:$0x6] =	stream.indirect.gather [hbm4b:s3+s21], $0x80, s11, s21, $0xb8;
	[tilespmem:$0x19900] =	vst v63  }
0x92: {  	s13 =	sadd.s32 $0x3000, s13;
	s20 =	sadd.s32 $0x3000, s20;
	_ =	swait.ge [sflag:s1], $0x4000  }
0x93: {  	s15 =	sadd.s32 $0x3000, s15;
	s14 =	sadd.s32 $0x3000, s14;
	[sflag:s1] =	ssyncset.done $0x0  }
0x94: {  	s17 =	sadd.s32 $0x3000, s17;
	s16 =	sadd.s32 $0x3000, s16;
	[sflag:s1] =	ssyncadd.s32 $0xFFFFC000  }
0x95: {  	[hbm4b:s18+s2] =	stream.linear.scatter [tilespmem:s23], [sflag:$0x8], $0x4000, $0x38;
	[tilespmem:$0x19900] =	vst v63  }
0x96: {  	_ =	swait.ge [sflag:s26], $0x4000  }
0x97: {  	[sflag:s26] =	ssyncset.done $0x0  }
0x98: {  	s11 =	simm.s32 $0x1800;
	[sflag:s26] =	ssyncadd.s32 $0xFFFFC000  }
0x99: {  	[tilespmem:s22], [sflag:$0x1] =	stream.indirect.gather [hbm4b:s3+s21], $0x80, s11, s21, $0xb8;
	[tilespmem:$0x19900] =	vst v63  }
0x9a: {  	_ =	swait.ge [sflag:s30], $0x4000  }
0x9b: {  	[sflag:s30] =	ssyncset.done $0x0  }
0x9c: {  	s13 =	rddreg [dreg:$0x6];
	[sflag:s30] =	ssyncadd.s32 $0xFFFFC000  }
0x9d: {  	[hbm4b:s13+s2] =	stream.linear.scatter [tilespmem:s25], [sflag:$0x9], $0x4000, $0x38;
	[tilespmem:$0x19900] =	vst v63  }
0x9e: {  	_ =	swait.ge [sflag:s0], $0x4000  }
0x9f: {  	[sflag:s0] =	ssyncset.done $0x0  }
0xa0: {  	s14 =	simm.s32 $0x1880;
	[sflag:s0] =	ssyncadd.s32 $0xFFFFC000  }
0xa1: {  	[tilespmem:s23], [sflag:$0x2] =	stream.indirect.gather [hbm4b:s3+s21], $0x80, s14, s21, $0xb8;
	[tilespmem:$0x19900] =	vst v63  }
0xa2: {  	_ =	swait.ge [sflag:s5], $0x4000  }
0xa3: {  	[sflag:s5] =	ssyncset.done $0x0  }
0xa4: {  	s15 =	rddreg [dreg:$0x7];
	[sflag:s5] =	ssyncadd.s32 $0xFFFFC000  }
0xa5: {  	[hbm4b:s15+s2] =	stream.linear.scatter [tilespmem:s28], [sflag:$0xA], $0x4000, $0x38;
	[tilespmem:$0x19900] =	vst v63  }
0xa6: {  	_ =	swait.ge [sflag:s7], $0x4000  }
0xa7: {  	[sflag:s7] =	ssyncset.done $0x0  }
0xa8: {  	s16 =	rddreg [dreg:$0x8];
	[sflag:s7] =	ssyncadd.s32 $0xFFFFC000  }
0xa9: {  	[hbm4b:s16+s2] =	stream.linear.scatter [tilespmem:s31], [sflag:$0xB], $0x4000, $0x38;
	[tilespmem:$0x19900] =	vst v63  }
0xaa: {  	_ =	swait.ge [sflag:s9], $0x4000  }
0xab: {  	[sflag:s9] =	ssyncset.done $0x0  }
0xac: {  	s17 =	rddreg [dreg:$0x9];
	[sflag:s9] =	ssyncadd.s32 $0xFFFFC000  }
0xad: {  	[hbm4b:s17+s2] =	stream.linear.scatter [tilespmem:s24], [sflag:$0xC], $0x4000, $0x38;
	[tilespmem:$0x19900] =	vst v63  }
0xae: {  	_ =	swait.ge [sflag:s29], $0x4000  }
0xaf: {  	[sflag:s29] =	ssyncset.done $0x0  }
0xb0: {  	s18 =	rddreg [dreg:$0xa];
	[sflag:s29] =	ssyncadd.s32 $0xFFFFC000  }
0xb1: {  	[hbm4b:s18+s2] =	stream.linear.scatter [tilespmem:s22], [sflag:$0x7], $0x4000, $0x38;
	[tilespmem:$0x19900] =	vst v63  }
0xb2: {  	_ =	swait.ge [sflag:s1], $0x4000  }
0xb3: {  	[sflag:s1] =	ssyncset.done $0x0  }
0xb4: {  	s19 =	rddreg [dreg:$0xb];
	[sflag:s1] =	ssyncadd.s32 $0xFFFFC000  }
0xb5: {  	[hbm4b:s19+s2] =	stream.linear.scatter [tilespmem:s23], [sflag:$0x8], $0x4000, $0x38;
	[tilespmem:$0x19900] =	vst v63  }
0xb6: {  	_ =	swait.ge [sflag:s6], $0x4000  }
0xb7: {  	[sflag:s6] =	ssyncset.done $0x0  }
0xb8: {  	[sflag:s6] =	ssyncadd.s32 $0xFFFFC000  }
0xb9: {  	_ =	swait.ge [sflag:s8], $0x4000  }
0xba: {  	[sflag:s8] =	ssyncset.done $0x0  }
0xbb: {  	[sflag:s8] =	ssyncadd.s32 $0xFFFFC000  }
0xbc: {  	_ =	swait.ge [sflag:s10], $0x4000  }
0xbd: {  	[sflag:s10] =	ssyncset.done $0x0  }
0xbe: {  	[sflag:s10] =	ssyncadd.s32 $0xFFFFC000  }
0xbf: {  	_ =	swait.ge [sflag:s4], $0x4000  }
0xc0: {  	[sflag:s4] =	ssyncset.done $0x0  }
0xc1: {  	[sflag:s4] =	ssyncadd.s32 $0xFFFFC000  }
0xc2: {  	_ =	swait.ge [sflag:s26], $0x4000  }
0xc3: {  	[sflag:s26] =	ssyncset.done $0x0  }
0xc4: {  	[sflag:s26] =	ssyncadd.s32 $0xFFFFC000  }
0xc5: {  	_ =	swait.ge [sflag:s0], $0x4000  }
0xc6: {  	s12 =	rddreg [dreg:$0x13]  }
0xc7: {  	s20 =	rddreg [dreg:$0xc];
	s12 =	sadd.s32 $0x1, s12  }
0xc8: {  	p0 =	sne.s32 s12, s20  }
.Ltmp1:
0xc9: {  	_ = 	snop;
	(pc) =	sbr.rel @p0 .LBB2_1-.Ltmp1, $3  }
0xca: {  	_ =	sdelay $0x1  }
0xcb: {  	[sflag:s0] =	ssyncset.done $0x0  }
0xcc: {  	[sflag:s0] =	ssyncadd.s32 $0xFFFFC000  }
0xcd: {  	_ =	sfence.sel $0x180000  }
0xce: {  	[bflag:$0x0] =	sbarrier.arrive $0xFFFF  }
0xcf: {  	_ =	strace $0x90000047  }
0xd0: {  	s0 =	stileid.u32;
	[bflag:$0x2] =	sbarrier.arrive $0xFFFF  }
0xd1: {  	p0 =	sne.s32 s0, $0x0;
	s0 =	rddreg [dreg:$0x2]  }
0xd2: {  	s0 =	sadd.s32 @!p0 $0x100000, s0  }
0xd3: {  	[sflag:s0] =	ssyncadd.tile.s32 @!p0 $0x1;
	_ =	shalt  }
.Lfunc_end2:
_tile_overlayer_lowered:
.L_overlay_start_2:
0xd4: {  	(tag) =	ssettag $0x2  }
0xd5: {  	s0 =	rddreg [dreg:$0x0];
	s2 =	stileid.u32  }
0xd6: {  	s1 =	rddreg [dreg:$0x1];
	p0 =	sne.s32 s2, $0x0  }
0xd7: {  	s3 =	rddreg [dreg:$0x2];
	[bflag:$0x3] =	sbarrier.arrive $0xFFFF;
	s2 =	simm.s32 @!p0 $0x1C0D  }
0xd8: {  	[timem:s3], [sflag:s2] =	dma.local @!p0 [hbm:s0], s1  }
0xd9: {  	s0 =	simm.s32 @!p0 $0xD  }
0xda: {  	_ =	swait.ge @!p0 [sflag:s0], s1  }
0xdb: {  	s1 =	ssub.s32 @!p0 $0x0, s1;
	[sflag:s0] =	ssyncset.done @!p0 $0x0  }
0xdc: {  	[sflag:s0] =	ssyncadd.s32 @!p0 s1  }
0xdd: {  	[bflag:$0x3] =	sbarrier.arrive $0xFFFF  }
0xde: {  	_ =	shalt  }

</sc_bundles>
